<compile_context>
chip_gen: v7x
topology: tpu7x:2x2x1
jax: 0.10.2.dev20260603
libtpu: 0.0.44.dev20260713+nightly
codegen_flags: <defaults>
</compile_context>

<pallas_src>
import functools

import jax
import jax.numpy as jnp
from jax import lax
from jax.experimental import pallas as pl
from jax.experimental.pallas import tpu as pltpu
from jax.experimental.pallas import tpu_sc as plsc

_VT = 2048
_CR = 64
_K = 100
_SUB = 128


_PAD_KEY = -2**31


def _u32(x):
    return lax.bitcast_convert_type(x, jnp.uint32)


def _i32(x):
    return lax.bitcast_convert_type(x, jnp.int32)


def _f32_to_key(x):
    u = _u32(x)
    keyu = jnp.where((u >> 31) != 0, ~u, u | jnp.uint32(0x80000000))
    return _i32(keyu ^ jnp.uint32(0x80000000))


def _key_to_f32(k):
    uk = _u32(k)
    fb = jnp.where(k >= 0, uk, ~(uk ^ jnp.uint32(0x80000000)))
    return lax.bitcast_convert_type(fb, jnp.float32)


def _mid_i32(a, b):
    x = jnp.uint32(0x80000000)
    au = _u32(a) ^ x
    bu = _u32(b) ^ x
    mu = au + ((bu - au + jnp.uint32(1)) >> 1)
    return _i32(mu ^ x)


def _make_sc_gather(bsz, d):
    info = plsc.get_sparse_core_info()
    nc, ns = info.num_cores, info.num_subcores
    nw = nc * ns
    bpw = bsz // nw

    @functools.partial(
        pl.kernel,
        mesh=plsc.VectorSubcoreMesh(core_axis_name="c", subcore_axis_name="s"),
        out_type=jax.ShapeDtypeStruct((bsz, 128), jnp.float32),
        scratch_types=[
            pltpu.VMEM((bpw,), jnp.int32),
            pltpu.VMEM((bpw, 128), jnp.float32),
            pltpu.SemaphoreType.DMA,
        ],
    )
    def k(table_hbm, idx_hbm, out_hbm, idx_v, rows_v, sem):
        wid = lax.axis_index("s") * nc + lax.axis_index("c")
        base = wid * bpw
        pltpu.sync_copy(idx_hbm.at[pl.ds(base, bpw)], idx_v)
        pltpu.async_copy(table_hbm.at[idx_v], rows_v, sem).wait()
        pltpu.sync_copy(rows_v, out_hbm.at[pl.ds(base, bpw)])

    return k


def _gru_kernel(x_ref, h_ref, wx_ref, wh_ref, b_ref, g_ref, beta_ref,
                hn_ref, hln_ref):
    d = x_ref.shape[1]
    x = x_ref[...]
    h = h_ref[...]
    gx = jnp.dot(x, wx_ref[...], preferred_element_type=jnp.float32)
    gh = jnp.dot(h, wh_ref[...], preferred_element_type=jnp.float32)
    bb = b_ref[...]
    z = jax.nn.sigmoid(gx[:, :d] + gh[:, :d] + bb[:, :d])
    r = jax.nn.sigmoid(gx[:, d:2 * d] + gh[:, d:2 * d] + bb[:, d:2 * d])
    n = jnp.tanh(gx[:, 2 * d:] + r * gh[:, 2 * d:] + bb[:, 2 * d:])
    hn = (1.0 - z) * h + z * n
    mu = jnp.mean(hn, axis=-1, keepdims=True)
    var = jnp.mean((hn - mu) ** 2, axis=-1, keepdims=True)
    hln = (hn - mu) / jnp.sqrt(var + 1e-8) * g_ref[...] + beta_ref[...]
    hn_ref[...] = hn
    hln_ref[...] = hln


def _sel_kernel(hn_ref, emb_ref, bstar_ref, istar_ref, keys, maxk,
                *, nt, v_real, vpad):
    j = pl.program_id(1)
    cr = keys.shape[0]

    @pl.when(j < nt - 1)
    def _matmul_phase():
        lt = jnp.dot(hn_ref[...], emb_ref[...],
                     preferred_element_type=jnp.float32)
        keys[:, pl.ds(j * _VT, _VT)] = lt
        tm = jnp.max(lt.reshape(cr, _VT // _SUB, _SUB), axis=1)
        maxk[:, pl.ds(j * _SUB, _SUB)] = tm

    @pl.when(j == nt - 1)
    def _matmul_phase_pad():
        lt = jnp.dot(hn_ref[...], emb_ref[...],
                     preferred_element_type=jnp.float32)
        col = j * _VT + lax.broadcasted_iota(jnp.int32, (cr, _VT), 1)
        lt = jnp.where(col < v_real, lt, float("-inf"))
        keys[:, pl.ds(j * _VT, _VT)] = lt
        tm = jnp.max(lt.reshape(cr, _VT // _SUB, _SUB), axis=1)
        maxk[:, pl.ds(j * _SUB, _SUB)] = tm

    @pl.when(j == nt)
    def _bisect_phase():
        mk = maxk[...]

        def cnt_f(t):
            return jnp.sum((keys[...] > _key_to_f32(t)).astype(jnp.int32),
                           axis=1, keepdims=True)

        a = jnp.full((cr, 1), _PAD_KEY, jnp.int32)
        b = jnp.full((cr, 1), 2**31 - 2, jnp.int32)

        def mbody(_, ab):
            a, b = ab
            mid = _mid_i32(a, b)
            p = jnp.sum((mk > _key_to_f32(mid)).astype(jnp.int32), axis=1,
                        keepdims=True) >= _K
            live = a < b
            return (jnp.where(live & p, mid, a),
                    jnp.where(live & ~p, mid - 1, b))

        a, b = lax.fori_loop(0, 32, mbody, (a, b))
        t100 = a
        rmax = jnp.max(mk, axis=1, keepdims=True)

        a = t100
        b = jnp.maximum(_f32_to_key(rmax) - 1, t100)

        def fcond(ab):
            return jnp.any(ab[0] < ab[1])

        def fbody(ab):
            a, b = ab
            mid = _mid_i32(a, b)
            p = cnt_f(mid) >= _K
            live = a < b
            return (jnp.where(live & p, mid, a),
                    jnp.where(live & ~p, mid - 1, b))

        a, _ = lax.while_loop(fcond, fbody, (a, b))
        bstar = a + 1
        fb = _key_to_f32(bstar)
        n_gt = cnt_f(bstar)
        cnt_eq = jnp.sum((keys[...] == fb).astype(jnp.int32),
                         axis=1, keepdims=True)
        r = _K - n_gt

        done = cnt_eq == r
        big = jnp.int32(vpad)
        a2 = jnp.where(done, big, 0)
        b2 = jnp.where(done, big, vpad - 1)

        def icond(ab):
            return jnp.any(ab[0] < ab[1])

        def ibody(ab):
            a2, b2 = ab
            mid = (a2 + b2) >> 1
            colg = lax.broadcasted_iota(jnp.int32, (cr, vpad), 1)
            sel = (keys[...] == fb) & (colg <= mid)
            cl = jnp.sum(sel.astype(jnp.int32), axis=1, keepdims=True)
            p = cl >= r
            live = a2 < b2
            return (jnp.where(live & ~p, mid + 1, a2),
                    jnp.where(live & p, mid, b2))

        a2, _ = lax.while_loop(icond, ibody, (a2, b2))
        bstar_ref[...] = bstar
        istar_ref[...] = a2


def _acc_kernel(hn_ref, emb_ref, btab_ref, bstar_ref, istar_ref, out_ref,
                acc, *, nt, v_real):
    j = pl.program_id(0)
    bsz = hn_ref.shape[0]
    lt = jnp.dot(hn_ref[...], emb_ref[...], preferred_element_type=jnp.float32)
    col = j * _VT + lax.broadcasted_iota(jnp.int32, (bsz, _VT), 1)
    fb = _key_to_f32(bstar_ref[...])
    mask = (lt > fb) | ((lt == fb) & (col <= istar_ref[...]))
    ml = jnp.where(mask, lt, 0.0)

    @pl.when(j == 0)
    def _():
        acc[...] = jnp.zeros_like(acc)

    acc[...] += jnp.dot(ml, btab_ref[...], preferred_element_type=jnp.float32)

    @pl.when(j == nt - 1)
    def _():
        out_ref[...] = acc[...]


def kernel(seqs, length, topk, T_emb_weight, S_emb_weight, item_emb_weight,
           Wx, Wh, b, ln_gamma, ln_beta, H0):
    bsz = seqs.shape[0]
    d, v = item_emb_weight.shape
    steps = 4

    vpad = ((v + _VT - 1) // _VT) * _VT
    nt = vpad // _VT
    nc = bsz // _CR
    emb_pad = jnp.pad(item_emb_weight, ((0, 0), (0, vpad - v)))
    iota_col = jnp.arange(vpad, dtype=jnp.float32)[:, None]
    btab = jnp.concatenate([
        jnp.pad(T_emb_weight.T, ((0, vpad - v), (0, 0))),
        jnp.pad(S_emb_weight.T, ((0, vpad - v), (0, 0))),
        jnp.pad(item_emb_weight.T, ((0, vpad - v), (0, 0))),
        iota_col,
        jnp.zeros((vpad, 256 - 3 * d - 1), jnp.float32),
    ], axis=1)
    b2 = b.reshape(1, -1)
    g2 = ln_gamma.reshape(1, -1)
    beta2 = ln_beta.reshape(1, -1)

    gru_call = pl.pallas_call(
        _gru_kernel,
        in_specs=[
            pl.BlockSpec((bsz, d), lambda: (0, 0)),
            pl.BlockSpec((bsz, d), lambda: (0, 0)),
            pl.BlockSpec((d, 3 * d), lambda: (0, 0)),
            pl.BlockSpec((d, 3 * d), lambda: (0, 0)),
            pl.BlockSpec((1, 3 * d), lambda: (0, 0)),
            pl.BlockSpec((1, d), lambda: (0, 0)),
            pl.BlockSpec((1, d), lambda: (0, 0)),
        ],
        out_specs=[
            pl.BlockSpec((bsz, d), lambda: (0, 0)),
            pl.BlockSpec((bsz, d), lambda: (0, 0)),
        ],
        out_shape=[
            jax.ShapeDtypeStruct((bsz, d), jnp.float32),
            jax.ShapeDtypeStruct((bsz, d), jnp.float32),
        ],
    )

    sel_call = pl.pallas_call(
        functools.partial(_sel_kernel, nt=nt, v_real=v, vpad=vpad),
        grid=(nc, nt + 1),
        in_specs=[
            pl.BlockSpec((_CR, d), lambda c, j: (c, 0)),
            pl.BlockSpec((d, _VT), lambda c, j: (0, jnp.minimum(j, nt - 1))),
        ],
        out_specs=[
            pl.BlockSpec((_CR, 1), lambda c, j: (c, 0)),
            pl.BlockSpec((_CR, 1), lambda c, j: (c, 0)),
        ],
        out_shape=[
            jax.ShapeDtypeStruct((bsz, 1), jnp.int32),
            jax.ShapeDtypeStruct((bsz, 1), jnp.int32),
        ],
        scratch_shapes=[
            pltpu.VMEM((_CR, vpad), jnp.float32),
            pltpu.VMEM((_CR, (vpad // _VT) * _SUB), jnp.float32),
        ],
    )

    acc_call = pl.pallas_call(
        functools.partial(_acc_kernel, nt=nt, v_real=v),
        grid=(nt,),
        in_specs=[
            pl.BlockSpec((bsz, d), lambda j: (0, 0)),
            pl.BlockSpec((d, _VT), lambda j: (0, j)),
            pl.BlockSpec((_VT, 256), lambda j: (j, 0)),
            pl.BlockSpec((bsz, 1), lambda j: (0, 0)),
            pl.BlockSpec((bsz, 1), lambda j: (0, 0)),
        ],
        out_specs=pl.BlockSpec((bsz, 256), lambda j: (0, 0)),
        out_shape=jax.ShapeDtypeStruct((bsz, 256), jnp.float32),
        scratch_shapes=[pltpu.VMEM((bsz, 256), jnp.float32)],
    )

    emb_rows128 = jnp.pad(emb_pad.T, ((0, 0), (0, 128 - d)))
    X = _make_sc_gather(bsz, d)(emb_rows128, seqs.astype(jnp.int32))[:, :d]
    H = H0
    t_list, s_list = [], []
    seq_parts = [seqs.astype(jnp.float32)]
    for _ in range(steps):
        hn, hln = gru_call(X, H, Wx, Wh, b2, g2, beta2)
        H = hln
        bstar, istar = sel_call(hn, emb_pad)
        res = acc_call(hn, emb_pad, btab, bstar, istar)
        t_list.append(res[:, None, 0:d])
        s_list.append(res[:, None, d:2 * d])
        X = res[:, 2 * d:3 * d]
        seq_parts.append(res[:, 3 * d])
    t_out = jnp.concatenate(t_list, axis=1)
    s_out = jnp.concatenate(s_list, axis=1)
    seq_out = jnp.concatenate(seq_parts, axis=0).reshape(bsz, -1)
    return (t_out, s_out, seq_out)

# --- scband reference (transcript-rebuilt; emitter-appended) ---
"""Pipeline reference for scband-gru4-rec-4329327034833 (READ-ONLY COPY).

The authoritative reference and input builder live on the scoring server;
editing this copy changes nothing except your own understanding.
"""

import jax, jax.numpy as jnp
import numpy as np

B = 1024
V = 100001  # item_num + 1
D = 64
L = 4
K = 100


def setup_inputs(seed: int = 0):
    key = jax.random.key(seed)
    ks = jax.random.split(key, 8)
    return {
        "seqs": jax.random.randint(ks[0], (B,), 0, V),
        "length": L,
        "topk": K,
        "T_emb_weight": jax.random.normal(ks[1], (D, V), jnp.float32) * 0.02,
        "S_emb_weight": jax.random.normal(ks[2], (D, V), jnp.float32) * 0.02,
        "item_emb_weight": jax.random.normal(ks[3], (D, V), jnp.float32) * 0.02,
        "Wx": jax.random.normal(ks[4], (D, 3 * D), jnp.float32) * 0.05,
        "Wh": jax.random.normal(ks[5], (D, 3 * D), jnp.float32) * 0.05,
        "b": jnp.zeros((3 * D,), jnp.float32),
        "ln_gamma": jnp.ones((D,), jnp.float32),
        "ln_beta": jnp.zeros((D,), jnp.float32),
        "H0": jax.random.normal(ks[6], (B, D), jnp.float32),
    }


def _layernorm(h, g, bta):
    mu = jnp.mean(h, axis=-1, keepdims=True)
    var = jnp.var(h, axis=-1, keepdims=True)
    return (h - mu) / jnp.sqrt(var + 1e-8) * g + bta


def _gru_cell(X, H, Wx, Wh, b):
    d = H.shape[1]
    gx = X @ Wx
    gh = H @ Wh
    z = jax.nn.sigmoid(gx[:, :d] + gh[:, :d] + b[:d])
    r = jax.nn.sigmoid(gx[:, d:2 * d] + gh[:, d:2 * d] + b[d:2 * d])
    n = jnp.tanh(gx[:, 2 * d:] + r * gh[:, 2 * d:] + b[2 * d:])
    Hn = (1.0 - z) * H + z * n
    return Hn, Hn


def reference(seqs, length, topk, T_emb_weight, S_emb_weight, item_emb_weight, Wx, Wh, b, ln_gamma, ln_beta, H0):
    Bsz = seqs.shape[0]
    steps = L
    kk = K
    X = item_emb_weight.T[seqs]
    H = H0 + 0.0 * jnp.asarray(length, H0.dtype) + 0.0 * jnp.asarray(topk, H0.dtype)
    t_list = []
    s_list = []
    seq_parts = [seqs.astype(jnp.float32)]
    for _ in range(steps):
        X, H = _gru_cell(X, H, Wx, Wh, b)
        H = _layernorm(H, ln_gamma, ln_beta)
        logits_full = X @ item_emb_weight
        vals, idx = jax.lax.top_k(logits_full, kk)
        logits = vals  # mode == 3: pass-through sorted top-k logits
        T_rows = T_emb_weight.T[idx.reshape(-1)].reshape(Bsz, kk, -1)
        S_rows = S_emb_weight.T[idx.reshape(-1)].reshape(Bsz, kk, -1)
        T_output = jnp.einsum('bk,bkd->bd', logits, T_rows)[:, None, :]
        S_output = jnp.einsum('bk,bkd->bd', logits, S_rows)[:, None, :]
        I_rows = item_emb_weight.T[idx.reshape(-1)].reshape(Bsz, kk, -1)
        lg = jax.lax.stop_gradient(logits)
        X = jnp.einsum('bk,bkd->bd', lg, I_rows)
        seq_num = jnp.sum(lg * idx.astype(jnp.float32), axis=-1)
        t_list.append(T_output)
        s_list.append(S_output)
        seq_parts.append(seq_num)
    t_out = jnp.concatenate(t_list, axis=1)
    s_out = jnp.concatenate(s_list, axis=1)
    seq_out = jnp.concatenate(seq_parts, axis=0).reshape(Bsz, -1)
    return (t_out, s_out, seq_out)

if __name__ == "__main__":
    import jax
    _d = setup_inputs()
    print(jax.jit(kernel)(*tuple(_d.values())))

</pallas_src>

<mosaic_0001>
#map = affine_map<(d0, d1) -> (0, 0)>
#map1 = affine_map<(d0, d1) -> (0)>
module attributes {stable_mosaic.version = 14 : i64} {
  func.func @k(%arg0: i32, %arg1: i32, %arg2: memref<100352x128xf32, #tpu.memory_space<hbm>>, %arg3: memref<1024xi32, #tpu.memory_space<hbm>>, %arg4: memref<1024x128xf32, #tpu.memory_space<hbm>>, %arg5: memref<32xi32, #tpu.memory_space<vmem>>, %arg6: memref<32x128xf32, #tpu.memory_space<vmem>>, %arg7: memref<!tpu.dma_semaphore, #tpu.memory_space<semaphore_mem>>) attributes {dimension_semantics = [#tpu.dimension_semantics<core_parallel>, #tpu.dimension_semantics<subcore_parallel>], iteration_bounds = array<i64: 2, 16>, scalar_prefetch = 0 : i64, scratch_operands = 3 : i64, tpu.core_type = #tpu.core_type<sc_vector_subcore>, window_params = [{transform_indices = #map}, {transform_indices = #map1}, {transform_indices = #map}]} {
    %mul3A = arith.constant 2 : i32
    %mul3A_0 = arith.muli %arg1, %mul3A : i32
    %add3A = arith.addi %mul3A_0, %arg0 : i32
    %mul3A_1 = arith.constant 32 : i32
    %mul3A_2 = arith.muli %add3A, %mul3A_1 : i32
    "tpu.region"() ({
      %run_scoped3A = tpu.sem_alloc : memref<!tpu.dma_semaphore, #tpu.memory_space<semaphore_mem>>
      %dma_start3A_7 = tpu.memref_slice %arg3[%mul3A_2] : memref<1024xi32, #tpu.memory_space<hbm>> -> memref<32xi32, #tpu.memory_space<hbm>>
      %dma_start3A_8 = tpu.memref_slice %arg3[%mul3A_2] : memref<1024xi32, #tpu.memory_space<hbm>> -> memref<32xi32, #tpu.memory_space<hbm>>
      tpu.enqueue_dma source(%dma_start3A_8 : memref<32xi32, #tpu.memory_space<hbm>>) target(%arg5 : memref<32xi32, #tpu.memory_space<vmem>>) target_semaphore(%run_scoped3A : memref<!tpu.dma_semaphore, #tpu.memory_space<semaphore_mem>>)
      %dma_wait3A_9 = tpu.memref_slice %arg3[%mul3A_2] : memref<1024xi32, #tpu.memory_space<hbm>> -> memref<32xi32, #tpu.memory_space<hbm>>
      %dma_wait3A_10 = tpu.memref_slice %arg3[%mul3A_2] : memref<1024xi32, #tpu.memory_space<hbm>> -> memref<32xi32, #tpu.memory_space<hbm>>
      tpu.wait_dma2 semaphore(%run_scoped3A : memref<!tpu.dma_semaphore, #tpu.memory_space<semaphore_mem>>) src(%dma_wait3A_10 : memref<32xi32, #tpu.memory_space<hbm>>) dst(%arg5 : memref<32xi32, #tpu.memory_space<vmem>>)
      tpu.yield
    }) : () -> ()
    %dma_start3A = arith.constant 0 : i32
    %dma_start3A_3 = arith.constant 0 : i32
    %dma_start3A_4 = tpu.memref_slice %arg2[%dma_start3A, %dma_start3A_3] : memref<100352x128xf32, #tpu.memory_space<hbm>> -> memref<100352x128xf32, #tpu.memory_space<hbm>>
    tpu.enqueue_indirect_dma source(%dma_start3A_4 : memref<100352x128xf32, #tpu.memory_space<hbm>>) target(%arg6 : memref<32x128xf32, #tpu.memory_space<vmem>>) offsets(%arg5 : memref<32xi32, #tpu.memory_space<vmem>>) semaphore(%arg7 : memref<!tpu.dma_semaphore, #tpu.memory_space<semaphore_mem>>)
    %dma_wait3A = arith.constant 0 : i32
    %dma_wait3A_5 = arith.constant 0 : i32
    %dma_wait3A_6 = tpu.memref_slice %arg2[%dma_wait3A, %dma_wait3A_5] : memref<100352x128xf32, #tpu.memory_space<hbm>> -> memref<100352x128xf32, #tpu.memory_space<hbm>>
    tpu.wait_indirect_dma semaphore(%arg7 : memref<!tpu.dma_semaphore, #tpu.memory_space<semaphore_mem>>) src(%dma_wait3A_6 : memref<100352x128xf32, #tpu.memory_space<hbm>>) dst(%arg6 : memref<32x128xf32, #tpu.memory_space<vmem>>)
    "tpu.region"() ({
      %run_scoped3A = tpu.sem_alloc : memref<!tpu.dma_semaphore, #tpu.memory_space<semaphore_mem>>
      %dma_start3A_7 = arith.constant 0 : i32
      %dma_start3A_8 = tpu.memref_slice %arg4[%mul3A_2, %dma_start3A_7] : memref<1024x128xf32, #tpu.memory_space<hbm>> -> memref<32x128xf32, #tpu.memory_space<hbm>>
      %dma_start3A_9 = arith.constant 0 : i32
      %dma_start3A_10 = tpu.memref_slice %arg4[%mul3A_2, %dma_start3A_9] : memref<1024x128xf32, #tpu.memory_space<hbm>> -> memref<32x128xf32, #tpu.memory_space<hbm>>
      tpu.enqueue_dma source(%arg6 : memref<32x128xf32, #tpu.memory_space<vmem>>) target(%dma_start3A_10 : memref<32x128xf32, #tpu.memory_space<hbm>>) target_semaphore(%run_scoped3A : memref<!tpu.dma_semaphore, #tpu.memory_space<semaphore_mem>>)
      %dma_wait3A_11 = arith.constant 0 : i32
      %dma_wait3A_12 = tpu.memref_slice %arg4[%mul3A_2, %dma_wait3A_11] : memref<1024x128xf32, #tpu.memory_space<hbm>> -> memref<32x128xf32, #tpu.memory_space<hbm>>
      %dma_wait3A_13 = arith.constant 0 : i32
      %dma_wait3A_14 = tpu.memref_slice %arg4[%mul3A_2, %dma_wait3A_13] : memref<1024x128xf32, #tpu.memory_space<hbm>> -> memref<32x128xf32, #tpu.memory_space<hbm>>
      tpu.wait_dma2 semaphore(%run_scoped3A : memref<!tpu.dma_semaphore, #tpu.memory_space<semaphore_mem>>) src(%arg6 : memref<32x128xf32, #tpu.memory_space<vmem>>) dst(%dma_wait3A_14 : memref<32x128xf32, #tpu.memory_space<hbm>>)
      tpu.yield
    }) : () -> ()
    return
  }
}

module attributes {stable_mosaic.version = 14 : i64} {
  func.func @_gru_kernel(%arg0: memref<1024x64xf32, #tpu.memory_space<vmem>>, %arg1: memref<1024x64xf32, #tpu.memory_space<vmem>>, %arg2: memref<64x192xf32, #tpu.memory_space<vmem>>, %arg3: memref<64x192xf32, #tpu.memory_space<vmem>>, %arg4: memref<1x192xf32, #tpu.memory_space<vmem>>, %arg5: memref<1x64xf32, #tpu.memory_space<vmem>>, %arg6: memref<1x64xf32, #tpu.memory_space<vmem>>, %arg7: memref<1024x64xf32, #tpu.memory_space<vmem>>, %arg8: memref<1024x64xf32, #tpu.memory_space<vmem>>) attributes {dimension_semantics = [], scalar_prefetch = 0 : i64, scratch_operands = 0 : i64, tpu.core_type = #tpu.core_type<tc>} {
    %get3A = arith.constant 0 : index
    %get3A_0 = arith.constant 0 : index
    %get3A_1 = vector.load %arg0[%get3A, %get3A_0] : memref<1024x64xf32, #tpu.memory_space<vmem>>, vector<1024x64xf32>
    %get3A_2 = arith.constant 0 : index
    %get3A_3 = arith.constant 0 : index
    %get3A_4 = vector.load %arg1[%get3A_2, %get3A_3] : memref<1024x64xf32, #tpu.memory_space<vmem>>, vector<1024x64xf32>
    %get3A_5 = arith.constant 0 : index
    %get3A_6 = arith.constant 0 : index
    %get3A_7 = vector.load %arg2[%get3A_5, %get3A_6] : memref<64x192xf32, #tpu.memory_space<vmem>>, vector<64x192xf32>
    %dot_general3A = arith.constant dense<0.000000e+00> : vector<1024x192xf32>
    %dot_general3A_8 = tpu.matmul %get3A_1, %get3A_7, %dot_general3A {dimension_numbers = #tpu.dot_dimension_numbers<[1], [0], [0], [1], [0, 0, 1, 1], [], []>, transpose_lhs_hint = false} : vector<1024x64xf32>, vector<64x192xf32>, vector<1024x192xf32> -> vector<1024x192xf32>
    %get3A_9 = arith.constant 0 : index
    %get3A_10 = arith.constant 0 : index
    %get3A_11 = vector.load %arg3[%get3A_9, %get3A_10] : memref<64x192xf32, #tpu.memory_space<vmem>>, vector<64x192xf32>
    %dot_general3A_12 = arith.constant dense<0.000000e+00> : vector<1024x192xf32>
    %dot_general3A_13 = tpu.matmul %get3A_4, %get3A_11, %dot_general3A_12 {dimension_numbers = #tpu.dot_dimension_numbers<[1], [0], [0], [1], [0, 0, 1, 1], [], []>, transpose_lhs_hint = false} : vector<1024x64xf32>, vector<64x192xf32>, vector<1024x192xf32> -> vector<1024x192xf32>
    %get3A_14 = arith.constant 0 : index
    %get3A_15 = arith.constant 0 : index
    %get3A_16 = vector.load %arg4[%get3A_14, %get3A_15] : memref<1x192xf32, #tpu.memory_space<vmem>>, vector<1x192xf32>
    %slice3A = vector.extract_strided_slice %dot_general3A_8 {offsets = [0, 0], sizes = [1024, 64], strides = [1, 1]} : vector<1024x192xf32> to vector<1024x64xf32>
    %slice3A_17 = vector.extract_strided_slice %dot_general3A_13 {offsets = [0, 0], sizes = [1024, 64], strides = [1, 1]} : vector<1024x192xf32> to vector<1024x64xf32>
    %add3A = arith.addf %slice3A, %slice3A_17 : vector<1024x64xf32>
    %slice3A_18 = vector.extract_strided_slice %get3A_16 {offsets = [0, 0], sizes = [1, 64], strides = [1, 1]} : vector<1x192xf32> to vector<1x64xf32>
    %add3A_19 = vector.broadcast %slice3A_18 : vector<1x64xf32> to vector<1024x64xf32>
    %add3A_20 = arith.addf %add3A, %add3A_19 : vector<1024x64xf32>
    %logistic3A = arith.negf %add3A_20 : vector<1024x64xf32>
    %logistic3A_21 = math.exp %logistic3A : vector<1024x64xf32>
    %logistic3A_22 = arith.constant 1.000000e+00 : f32
    %logistic3A_23 = vector.broadcast %logistic3A_22 : f32 to vector<1024x64xf32>
    %logistic3A_24 = arith.addf %logistic3A_23, %logistic3A_21 : vector<1024x64xf32>
    %logistic3A_25 = arith.divf %logistic3A_23, %logistic3A_24 : vector<1024x64xf32>
    %slice3A_26 = vector.extract_strided_slice %dot_general3A_8 {offsets = [0, 64], sizes = [1024, 64], strides = [1, 1]} : vector<1024x192xf32> to vector<1024x64xf32>
    %slice3A_27 = vector.extract_strided_slice %dot_general3A_13 {offsets = [0, 64], sizes = [1024, 64], strides = [1, 1]} : vector<1024x192xf32> to vector<1024x64xf32>
    %add3A_28 = arith.addf %slice3A_26, %slice3A_27 : vector<1024x64xf32>
    %slice3A_29 = vector.extract_strided_slice %get3A_16 {offsets = [0, 64], sizes = [1, 64], strides = [1, 1]} : vector<1x192xf32> to vector<1x64xf32>
    %add3A_30 = vector.broadcast %slice3A_29 : vector<1x64xf32> to vector<1024x64xf32>
    %add3A_31 = arith.addf %add3A_28, %add3A_30 : vector<1024x64xf32>
    %logistic3A_32 = arith.negf %add3A_31 : vector<1024x64xf32>
    %logistic3A_33 = math.exp %logistic3A_32 : vector<1024x64xf32>
    %logistic3A_34 = arith.constant 1.000000e+00 : f32
    %logistic3A_35 = vector.broadcast %logistic3A_34 : f32 to vector<1024x64xf32>
    %logistic3A_36 = arith.addf %logistic3A_35, %logistic3A_33 : vector<1024x64xf32>
    %logistic3A_37 = arith.divf %logistic3A_35, %logistic3A_36 : vector<1024x64xf32>
    %slice3A_38 = vector.extract_strided_slice %dot_general3A_8 {offsets = [0, 128], sizes = [1024, 64], strides = [1, 1]} : vector<1024x192xf32> to vector<1024x64xf32>
    %slice3A_39 = vector.extract_strided_slice %dot_general3A_13 {offsets = [0, 128], sizes = [1024, 64], strides = [1, 1]} : vector<1024x192xf32> to vector<1024x64xf32>
    %mul3A = arith.mulf %logistic3A_37, %slice3A_39 : vector<1024x64xf32>
    %add3A_40 = arith.addf %slice3A_38, %mul3A : vector<1024x64xf32>
    %slice3A_41 = vector.extract_strided_slice %get3A_16 {offsets = [0, 128], sizes = [1, 64], strides = [1, 1]} : vector<1x192xf32> to vector<1x64xf32>
    %add3A_42 = vector.broadcast %slice3A_41 : vector<1x64xf32> to vector<1024x64xf32>
    %add3A_43 = arith.addf %add3A_40, %add3A_42 : vector<1024x64xf32>
    %tanh3A = math.tanh %add3A_43 : vector<1024x64xf32>
    %sub3A = arith.constant 1.000000e+00 : f32
    %sub3A_44 = vector.broadcast %sub3A : f32 to vector<1024x64xf32>
    %sub3A_45 = arith.subf %sub3A_44, %logistic3A_25 : vector<1024x64xf32>
    %mul3A_46 = arith.mulf %sub3A_45, %get3A_4 : vector<1024x64xf32>
    %mul3A_47 = arith.mulf %logistic3A_25, %tanh3A : vector<1024x64xf32>
    %add3A_48 = arith.addf %mul3A_46, %mul3A_47 : vector<1024x64xf32>
    %reduce_sum3A = arith.constant dense<0.000000e+00> : vector<1024xf32>
    %reduce_sum3A_49 = vector.multi_reduction <add>, %add3A_48, %reduce_sum3A [1] : vector<1024x64xf32> to vector<1024xf32>
    %broadcast_in_dim3A = vector.shape_cast %reduce_sum3A_49 : vector<1024xf32> to vector<1024x1xf32>
    %div3A = arith.constant 6.400000e+01 : f32
    %div3A_50 = vector.broadcast %div3A : f32 to vector<1024x1xf32>
    %div3A_51 = arith.divf %broadcast_in_dim3A, %div3A_50 : vector<1024x1xf32>
    %sub3A_52 = vector.broadcast %div3A_51 : vector<1024x1xf32> to vector<1024x64xf32>
    %sub3A_53 = arith.subf %add3A_48, %sub3A_52 : vector<1024x64xf32>
    %integer_pow3A = arith.mulf %sub3A_53, %sub3A_53 : vector<1024x64xf32>
    %reduce_sum3A_54 = arith.constant dense<0.000000e+00> : vector<1024xf32>
    %reduce_sum3A_55 = vector.multi_reduction <add>, %integer_pow3A, %reduce_sum3A_54 [1] : vector<1024x64xf32> to vector<1024xf32>
    %broadcast_in_dim3A_56 = vector.shape_cast %reduce_sum3A_55 : vector<1024xf32> to vector<1024x1xf32>
    %div3A_57 = arith.constant 6.400000e+01 : f32
    %div3A_58 = vector.broadcast %div3A_57 : f32 to vector<1024x1xf32>
    %div3A_59 = arith.divf %broadcast_in_dim3A_56, %div3A_58 : vector<1024x1xf32>
    %sub3A_60 = vector.broadcast %div3A_51 : vector<1024x1xf32> to vector<1024x64xf32>
    %sub3A_61 = arith.subf %add3A_48, %sub3A_60 : vector<1024x64xf32>
    %add3A_62 = arith.constant 9.99999993E-9 : f32
    %add3A_63 = vector.broadcast %add3A_62 : f32 to vector<1024x1xf32>
    %add3A_64 = arith.addf %div3A_59, %add3A_63 : vector<1024x1xf32>
    %sqrt3A = math.sqrt %add3A_64 : vector<1024x1xf32>
    %div3A_65 = vector.broadcast %sqrt3A : vector<1024x1xf32> to vector<1024x64xf32>
    %div3A_66 = arith.divf %sub3A_61, %div3A_65 : vector<1024x64xf32>
    %get3A_67 = arith.constant 0 : index
    %get3A_68 = arith.constant 0 : index
    %get3A_69 = vector.load %arg5[%get3A_67, %get3A_68] : memref<1x64xf32, #tpu.memory_space<vmem>>, vector<1x64xf32>
    %mul3A_70 = vector.broadcast %get3A_69 : vector<1x64xf32> to vector<1024x64xf32>
    %mul3A_71 = arith.mulf %div3A_66, %mul3A_70 : vector<1024x64xf32>
    %get3A_72 = arith.constant 0 : index
    %get3A_73 = arith.constant 0 : index
    %get3A_74 = vector.load %arg6[%get3A_72, %get3A_73] : memref<1x64xf32, #tpu.memory_space<vmem>>, vector<1x64xf32>
    %add3A_75 = vector.broadcast %get3A_74 : vector<1x64xf32> to vector<1024x64xf32>
    %add3A_76 = arith.addf %mul3A_71, %add3A_75 : vector<1024x64xf32>
    %swap3A = arith.constant 0 : index
    %swap3A_77 = arith.constant 0 : index
    %swap3A_78 = vector.load %arg7[%swap3A, %swap3A_77] : memref<1024x64xf32, #tpu.memory_space<vmem>>, vector<1024x64xf32>
    tpu.vector_store %arg7[%swap3A, %swap3A_77], %add3A_48 {strides = array<i32>} : memref<1024x64xf32, #tpu.memory_space<vmem>>, vector<1024x64xf32>,
    %swap3A_79 = arith.constant 0 : index
    %swap3A_80 = arith.constant 0 : index
    %swap3A_81 = vector.load %arg8[%swap3A_79, %swap3A_80] : memref<1024x64xf32, #tpu.memory_space<vmem>>, vector<1024x64xf32>
    tpu.vector_store %arg8[%swap3A_79, %swap3A_80], %add3A_76 {strides = array<i32>} : memref<1024x64xf32, #tpu.memory_space<vmem>>, vector<1024x64xf32>,
    return
  }
}

module attributes {stable_mosaic.version = 14 : i64} {
  func.func @_sel_kernel(%arg0: i32, %arg1: i32, %arg2: memref<64x64xf32, #tpu.memory_space<vmem>>, %arg3: memref<64x2048xf32, #tpu.memory_space<vmem>>, %arg4: memref<64x1xi32, #tpu.memory_space<vmem>>, %arg5: memref<64x1xi32, #tpu.memory_space<vmem>>, %arg6: memref<64x100352xf32, #tpu.memory_space<vmem>>, %arg7: memref<64x6272xf32, #tpu.memory_space<vmem>>) attributes {dimension_semantics = [#tpu.dimension_semantics<arbitrary>, #tpu.dimension_semantics<arbitrary>], iteration_bounds = array<i64: 16, 50>, scalar_prefetch = 0 : i64, scratch_operands = 2 : i64, tpu.core_type = #tpu.core_type<tc>, window_params = [{transform_indices = @transform_0, window_bounds = array<i64: 64, 64>}, {transform_indices = @transform_1, window_bounds = array<i64: 64, 2048>}, {transform_indices = @transform_2, window_bounds = array<i64: 64, 1>}, {transform_indices = @transform_3, window_bounds = array<i64: 64, 1>}]} {
    %lt3A = arith.constant 48 : i32
    %lt3A_0 = arith.cmpi slt, %arg1, %lt3A : i32
    %convert_element_type3A = arith.extui %lt3A_0 : i1 to i32
    %cond3A = arith.constant 0 : i32
    %cond3A_1 = arith.cmpi ne, %convert_element_type3A, %cond3A : i32
    scf.if %cond3A_1 {
      %get3A = arith.constant 0 : index
      %get3A_11 = arith.constant 0 : index
      %get3A_12 = vector.load %arg2[%get3A, %get3A_11] : memref<64x64xf32, #tpu.memory_space<vmem>>, vector<64x64xf32>
      %get3A_13 = arith.constant 0 : index
      %get3A_14 = arith.constant 0 : index
      %get3A_15 = vector.load %arg3[%get3A_13, %get3A_14] : memref<64x2048xf32, #tpu.memory_space<vmem>>, vector<64x2048xf32>
      %dot_general3A = arith.constant dense<0.000000e+00> : vector<64x2048xf32>
      %dot_general3A_16 = tpu.matmul %get3A_12, %get3A_15, %dot_general3A {dimension_numbers = #tpu.dot_dimension_numbers<[1], [0], [0], [1], [0, 0, 1, 1], [], []>, transpose_lhs_hint = false} : vector<64x64xf32>, vector<64x2048xf32>, vector<64x2048xf32> -> vector<64x2048xf32>
      %mul3A = arith.constant 2048 : i32
      %mul3A_17 = arith.muli %arg1, %mul3A : i32
      %swap3A = arith.constant 0 : index
      %swap3A_18 = arith.index_cast %mul3A_17 : i32 to index
      %swap3A_19 = vector.load %arg6[%swap3A, %swap3A_18] : memref<64x100352xf32, #tpu.memory_space<vmem>>, vector<64x2048xf32>
      tpu.vector_store %arg6[%swap3A, %swap3A_18], %dot_general3A_16 {strides = array<i32>} : memref<64x100352xf32, #tpu.memory_space<vmem>>, vector<64x2048xf32>,
      %reshape3A = vector.shape_cast %dot_general3A_16 : vector<64x2048xf32> to vector<64x16x128xf32>
      %reduce_max3A = arith.constant dense<0xFF800000> : vector<64x128xf32>
      %reduce_max3A_20 = vector.multi_reduction <maximumf>, %reshape3A, %reduce_max3A [1] : vector<64x16x128xf32> to vector<64x128xf32>
      %mul3A_21 = arith.constant 128 : i32
      %mul3A_22 = arith.muli %arg1, %mul3A_21 : i32
      %swap3A_23 = arith.constant 0 : index
      %swap3A_24 = arith.index_cast %mul3A_22 : i32 to index
      %swap3A_25 = vector.load %arg7[%swap3A_23, %swap3A_24] : memref<64x6272xf32, #tpu.memory_space<vmem>>, vector<64x128xf32>
      tpu.vector_store %arg7[%swap3A_23, %swap3A_24], %reduce_max3A_20 {strides = array<i32>} : memref<64x6272xf32, #tpu.memory_space<vmem>>, vector<64x128xf32>,
    } else {
    }
    %eq3A = arith.constant 48 : i32
    %eq3A_2 = arith.cmpi eq, %arg1, %eq3A : i32
    %convert_element_type3A_3 = arith.extui %eq3A_2 : i1 to i32
    %cond3A_4 = arith.constant 0 : i32
    %cond3A_5 = arith.cmpi ne, %convert_element_type3A_3, %cond3A_4 : i32
    scf.if %cond3A_5 {
      %get3A = arith.constant 0 : index
      %get3A_11 = arith.constant 0 : index
      %get3A_12 = vector.load %arg2[%get3A, %get3A_11] : memref<64x64xf32, #tpu.memory_space<vmem>>, vector<64x64xf32>
      %get3A_13 = arith.constant 0 : index
      %get3A_14 = arith.constant 0 : index
      %get3A_15 = vector.load %arg3[%get3A_13, %get3A_14] : memref<64x2048xf32, #tpu.memory_space<vmem>>, vector<64x2048xf32>
      %dot_general3A = arith.constant dense<0.000000e+00> : vector<64x2048xf32>
      %dot_general3A_16 = tpu.matmul %get3A_12, %get3A_15, %dot_general3A {dimension_numbers = #tpu.dot_dimension_numbers<[1], [0], [0], [1], [0, 0, 1, 1], [], []>, transpose_lhs_hint = false} : vector<64x64xf32>, vector<64x2048xf32>, vector<64x2048xf32> -> vector<64x2048xf32>
      %mul3A = arith.constant 2048 : i32
      %mul3A_17 = arith.muli %arg1, %mul3A : i32
      %iota3A = tpu.iota {dimensions = array<i32: 1>} : vector<64x2048xi32>
      %add3A = vector.broadcast %mul3A_17 : i32 to vector<64x2048xi32>
      %add3A_18 = arith.addi %add3A, %iota3A : vector<64x2048xi32>
      %lt3A_19 = arith.constant 100001 : i32
      %lt3A_20 = vector.broadcast %lt3A_19 : i32 to vector<64x2048xi32>
      %lt3A_21 = arith.cmpi slt, %add3A_18, %lt3A_20 : vector<64x2048xi32>
      %jit3A = arith.constant 0xFF800000 : f32
      %broadcast_in_dim3A = vector.broadcast %jit3A : f32 to vector<64x2048xf32>
      %select_n3A = arith.select %lt3A_21, %dot_general3A_16, %broadcast_in_dim3A : vector<64x2048xi1>, vector<64x2048xf32>
      %mul3A_22 = arith.constant 2048 : i32
      %mul3A_23 = arith.muli %arg1, %mul3A_22 : i32
      %swap3A = arith.constant 0 : index
      %swap3A_24 = arith.index_cast %mul3A_23 : i32 to index
      %swap3A_25 = vector.load %arg6[%swap3A, %swap3A_24] : memref<64x100352xf32, #tpu.memory_space<vmem>>, vector<64x2048xf32>
      tpu.vector_store %arg6[%swap3A, %swap3A_24], %select_n3A {strides = array<i32>} : memref<64x100352xf32, #tpu.memory_space<vmem>>, vector<64x2048xf32>,
      %reshape3A = vector.shape_cast %select_n3A : vector<64x2048xf32> to vector<64x16x128xf32>
      %reduce_max3A = arith.constant dense<0xFF800000> : vector<64x128xf32>
      %reduce_max3A_26 = vector.multi_reduction <maximumf>, %reshape3A, %reduce_max3A [1] : vector<64x16x128xf32> to vector<64x128xf32>
      %mul3A_27 = arith.constant 128 : i32
      %mul3A_28 = arith.muli %arg1, %mul3A_27 : i32
      %swap3A_29 = arith.constant 0 : index
      %swap3A_30 = arith.index_cast %mul3A_28 : i32 to index
      %swap3A_31 = vector.load %arg7[%swap3A_29, %swap3A_30] : memref<64x6272xf32, #tpu.memory_space<vmem>>, vector<64x128xf32>
      tpu.vector_store %arg7[%swap3A_29, %swap3A_30], %reduce_max3A_26 {strides = array<i32>} : memref<64x6272xf32, #tpu.memory_space<vmem>>, vector<64x128xf32>,
    } else {
    }
    %eq3A_6 = arith.constant 49 : i32
    %eq3A_7 = arith.cmpi eq, %arg1, %eq3A_6 : i32
    %convert_element_type3A_8 = arith.extui %eq3A_7 : i1 to i32
    %cond3A_9 = arith.constant 0 : i32
    %cond3A_10 = arith.cmpi ne, %convert_element_type3A_8, %cond3A_9 : i32
    scf.if %cond3A_10 {
      %get3A = arith.constant 0 : index
      %get3A_11 = arith.constant 0 : index
      %get3A_12 = vector.load %arg7[%get3A, %get3A_11] : memref<64x6272xf32, #tpu.memory_space<vmem>>, vector<64x6272xf32>
      %broadcast_in_dim3A = arith.constant -2147483648 : i32
      %broadcast_in_dim3A_13 = vector.broadcast %broadcast_in_dim3A : i32 to vector<64x1xi32>
      %broadcast_in_dim3A_14 = arith.constant 2147483646 : i32
      %broadcast_in_dim3A_15 = vector.broadcast %broadcast_in_dim3A_14 : i32 to vector<64x1xi32>
      %scan3A = arith.constant 0 : i32
      %scan3A_16 = arith.constant 32 : i32
      %scan3A_17 = arith.addi %scan3A, %scan3A_16 : i32
      %scan3A_18 = arith.constant 1 : i32
      %scan3A_19:2 = scf.for %scan3A_92 = %scan3A to %scan3A_17 step %scan3A_18 iter_args(%scan3A_93 = %broadcast_in_dim3A_13, %scan3A_94 = %broadcast_in_dim3A_15) -> (vector<64x1xi32>, vector<64x1xi32>)  : i32 {
        %bitcast_convert_type3A_95 = tpu.bitcast %scan3A_93 : vector<64x1xi32> -> vector<64x1xi32>
        %xor3A_96 = arith.constant -2147483648 : i32
        %xor3A_97 = vector.broadcast %xor3A_96 : i32 to vector<64x1xi32>
        %xor3A_98 = arith.xori %bitcast_convert_type3A_95, %xor3A_97 : vector<64x1xi32>
        %bitcast_convert_type3A_99 = tpu.bitcast %scan3A_94 : vector<64x1xi32> -> vector<64x1xi32>
        %xor3A_100 = arith.constant -2147483648 : i32
        %xor3A_101 = vector.broadcast %xor3A_100 : i32 to vector<64x1xi32>
        %xor3A_102 = arith.xori %bitcast_convert_type3A_99, %xor3A_101 : vector<64x1xi32>
        %sub3A_103 = arith.subi %xor3A_102, %xor3A_98 : vector<64x1xi32>
        %add3A_104 = arith.constant 1 : i32
        %add3A_105 = vector.broadcast %add3A_104 : i32 to vector<64x1xi32>
        %add3A_106 = arith.addi %sub3A_103, %add3A_105 : vector<64x1xi32>
        %shift_right_logical3A_107 = arith.constant 1 : i32
        %shift_right_logical3A_108 = vector.broadcast %shift_right_logical3A_107 : i32 to vector<64x1xi32>
        %shift_right_logical3A_109 = arith.shrui %add3A_106, %shift_right_logical3A_108 : vector<64x1xi32>
        %add3A_110 = arith.addi %xor3A_98, %shift_right_logical3A_109 : vector<64x1xi32>
        %xor3A_111 = arith.constant -2147483648 : i32
        %xor3A_112 = vector.broadcast %xor3A_111 : i32 to vector<64x1xi32>
        %xor3A_113 = arith.xori %add3A_110, %xor3A_112 : vector<64x1xi32>
        %bitcast_convert_type3A_114 = tpu.bitcast %xor3A_113 : vector<64x1xi32> -> vector<64x1xi32>
        %bitcast_convert_type3A_115 = tpu.bitcast %bitcast_convert_type3A_114 : vector<64x1xi32> -> vector<64x1xi32>
        %ge3A_116 = arith.constant 0 : i32
        %ge3A_117 = vector.broadcast %ge3A_116 : i32 to vector<64x1xi32>
        %ge3A_118 = arith.cmpi sge, %bitcast_convert_type3A_114, %ge3A_117 : vector<64x1xi32>
        %xor3A_119 = arith.constant -2147483648 : i32
        %xor3A_120 = vector.broadcast %xor3A_119 : i32 to vector<64x1xi32>
        %xor3A_121 = arith.xori %bitcast_convert_type3A_115, %xor3A_120 : vector<64x1xi32>
        %not3A_122 = arith.constant dense<-1> : vector<64x1xi32>
        %not3A_123 = arith.xori %xor3A_121, %not3A_122 : vector<64x1xi32>
        %select_n3A_124 = arith.select %ge3A_118, %bitcast_convert_type3A_115, %not3A_123 : vector<64x1xi1>, vector<64x1xi32>
        %bitcast_convert_type3A_125 = tpu.bitcast %select_n3A_124 : vector<64x1xi32> -> vector<64x1xf32>
        %gt3A_126 = vector.broadcast %bitcast_convert_type3A_125 : vector<64x1xf32> to vector<64x6272xf32>
        %gt3A_127 = arith.cmpf ogt, %get3A_12, %gt3A_126 : vector<64x6272xf32>
        %convert_element_type3A_128 = arith.extui %gt3A_127 : vector<64x6272xi1> to vector<64x6272xi32>
        %reduce_sum3A_129 = arith.constant dense<0> : vector<64xi32>
        %reduce_sum3A_130 = vector.multi_reduction <add>, %convert_element_type3A_128, %reduce_sum3A_129 [1] : vector<64x6272xi32> to vector<64xi32>
        %broadcast_in_dim3A_131 = vector.shape_cast %reduce_sum3A_130 : vector<64xi32> to vector<64x1xi32>
        %ge3A_132 = arith.constant 100 : i32
        %ge3A_133 = vector.broadcast %ge3A_132 : i32 to vector<64x1xi32>
        %ge3A_134 = arith.cmpi sge, %broadcast_in_dim3A_131, %ge3A_133 : vector<64x1xi32>
        %lt3A_135 = arith.cmpi slt, %scan3A_93, %scan3A_94 : vector<64x1xi32>
        %and3A = arith.andi %lt3A_135, %ge3A_134 : vector<64x1xi1>
        %select_n3A_136 = arith.select %and3A, %bitcast_convert_type3A_114, %scan3A_93 : vector<64x1xi1>, vector<64x1xi32>
        %not3A_137 = arith.constant dense<true> : vector<64x1xi1>
        %not3A_138 = arith.xori %ge3A_134, %not3A_137 : vector<64x1xi1>
        %and3A_139 = arith.andi %lt3A_135, %not3A_138 : vector<64x1xi1>
        %sub3A_140 = arith.constant 1 : i32
        %sub3A_141 = vector.broadcast %sub3A_140 : i32 to vector<64x1xi32>
        %sub3A_142 = arith.subi %bitcast_convert_type3A_114, %sub3A_141 : vector<64x1xi32>
        %select_n3A_143 = arith.select %and3A_139, %sub3A_142, %scan3A_94 : vector<64x1xi1>, vector<64x1xi32>
        scf.yield %select_n3A_136, %select_n3A_143 : vector<64x1xi32>, vector<64x1xi32>
      }
      %reduce_max3A = arith.constant dense<0xFF800000> : vector<64xf32>
      %reduce_max3A_20 = vector.multi_reduction <maximumf>, %get3A_12, %reduce_max3A [1] : vector<64x6272xf32> to vector<64xf32>
      %broadcast_in_dim3A_21 = vector.shape_cast %reduce_max3A_20 : vector<64xf32> to vector<64x1xf32>
      %bitcast_convert_type3A = tpu.bitcast %broadcast_in_dim3A_21 : vector<64x1xf32> -> vector<64x1xi32>
      %shift_right_logical3A = arith.constant 31 : i32
      %shift_right_logical3A_22 = vector.broadcast %shift_right_logical3A : i32 to vector<64x1xi32>
      %shift_right_logical3A_23 = arith.shrui %bitcast_convert_type3A, %shift_right_logical3A_22 : vector<64x1xi32>
      %ne3A = arith.constant 0 : i32
      %ne3A_24 = vector.broadcast %ne3A : i32 to vector<64x1xi32>
      %ne3A_25 = arith.cmpi ne, %shift_right_logical3A_23, %ne3A_24 : vector<64x1xi32>
      %not3A = arith.constant dense<-1> : vector<64x1xi32>
      %not3A_26 = arith.xori %bitcast_convert_type3A, %not3A : vector<64x1xi32>
      %or3A = arith.constant -2147483648 : i32
      %or3A_27 = vector.broadcast %or3A : i32 to vector<64x1xi32>
      %or3A_28 = arith.ori %bitcast_convert_type3A, %or3A_27 : vector<64x1xi32>
      %select_n3A = arith.select %ne3A_25, %not3A_26, %or3A_28 : vector<64x1xi1>, vector<64x1xi32>
      %xor3A = arith.constant -2147483648 : i32
      %xor3A_29 = vector.broadcast %xor3A : i32 to vector<64x1xi32>
      %xor3A_30 = arith.xori %select_n3A, %xor3A_29 : vector<64x1xi32>
      %bitcast_convert_type3A_31 = tpu.bitcast %xor3A_30 : vector<64x1xi32> -> vector<64x1xi32>
      %sub3A = arith.constant 1 : i32
      %sub3A_32 = vector.broadcast %sub3A : i32 to vector<64x1xi32>
      %sub3A_33 = arith.subi %bitcast_convert_type3A_31, %sub3A_32 : vector<64x1xi32>
      %max3A = arith.maxsi %sub3A_33, %scan3A_19#0 : vector<64x1xi32>
      %while3A:2 = scf.while (%while3A_92 = %scan3A_19#0, %while3A_93 = %max3A) : (vector<64x1xi32>, vector<64x1xi32>) -> (vector<64x1xi32>, vector<64x1xi32>) {
        %lt3A_94 = arith.cmpi slt, %while3A_92, %while3A_93 : vector<64x1xi32>
        %reduce_or3A = arith.constant 1.000000e+00 : f32
        %reduce_or3A_95 = arith.constant 0.000000e+00 : f32
        %reduce_or3A_96 = vector.broadcast %reduce_or3A : f32 to vector<64x1xf32>
        %reduce_or3A_97 = vector.broadcast %reduce_or3A_95 : f32 to vector<64x1xf32>
        %reduce_or3A_98 = arith.select %lt3A_94, %reduce_or3A_96, %reduce_or3A_97 : vector<64x1xi1>, vector<64x1xf32>
        %reduce_or3A_99 = vector.shape_cast %reduce_or3A_98 : vector<64x1xf32> to vector<1x64x1xf32>
        %reduce_or3A_100 = arith.constant dense<0xFF800000> : vector<1xf32>
        %reduce_or3A_101 = vector.multi_reduction <maximumf>, %reduce_or3A_99, %reduce_or3A_100 [1, 2] : vector<1x64x1xf32> to vector<1xf32>
        %reduce_or3A_102 = vector.shape_cast %reduce_or3A_101 : vector<1xf32> to vector<1x1x1xf32>
        %reduce_or3A_103 = vector.extract %reduce_or3A_102[0, 0, 0] : f32 from vector<1x1x1xf32>
        %reduce_or3A_104 = arith.constant 0.000000e+00 : f32
        %reduce_or3A_105 = arith.cmpf ogt, %reduce_or3A_103, %reduce_or3A_104 : f32
        scf.condition(%reduce_or3A_105) %while3A_92, %while3A_93 : vector<64x1xi32>, vector<64x1xi32>
      } do {
      ^bb0(%while3A_92: vector<64x1xi32>, %while3A_93: vector<64x1xi32>):
        %bitcast_convert_type3A_94 = tpu.bitcast %while3A_92 : vector<64x1xi32> -> vector<64x1xi32>
        %xor3A_95 = arith.constant -2147483648 : i32
        %xor3A_96 = vector.broadcast %xor3A_95 : i32 to vector<64x1xi32>
        %xor3A_97 = arith.xori %bitcast_convert_type3A_94, %xor3A_96 : vector<64x1xi32>
        %bitcast_convert_type3A_98 = tpu.bitcast %while3A_93 : vector<64x1xi32> -> vector<64x1xi32>
        %xor3A_99 = arith.constant -2147483648 : i32
        %xor3A_100 = vector.broadcast %xor3A_99 : i32 to vector<64x1xi32>
        %xor3A_101 = arith.xori %bitcast_convert_type3A_98, %xor3A_100 : vector<64x1xi32>
        %sub3A_102 = arith.subi %xor3A_101, %xor3A_97 : vector<64x1xi32>
        %add3A_103 = arith.constant 1 : i32
        %add3A_104 = vector.broadcast %add3A_103 : i32 to vector<64x1xi32>
        %add3A_105 = arith.addi %sub3A_102, %add3A_104 : vector<64x1xi32>
        %shift_right_logical3A_106 = arith.constant 1 : i32
        %shift_right_logical3A_107 = vector.broadcast %shift_right_logical3A_106 : i32 to vector<64x1xi32>
        %shift_right_logical3A_108 = arith.shrui %add3A_105, %shift_right_logical3A_107 : vector<64x1xi32>
        %add3A_109 = arith.addi %xor3A_97, %shift_right_logical3A_108 : vector<64x1xi32>
        %xor3A_110 = arith.constant -2147483648 : i32
        %xor3A_111 = vector.broadcast %xor3A_110 : i32 to vector<64x1xi32>
        %xor3A_112 = arith.xori %add3A_109, %xor3A_111 : vector<64x1xi32>
        %bitcast_convert_type3A_113 = tpu.bitcast %xor3A_112 : vector<64x1xi32> -> vector<64x1xi32>
        %get3A_114 = arith.constant 0 : index
        %get3A_115 = arith.constant 0 : index
        %get3A_116 = vector.load %arg6[%get3A_114, %get3A_115] : memref<64x100352xf32, #tpu.memory_space<vmem>>, vector<64x100352xf32>
        %bitcast_convert_type3A_117 = tpu.bitcast %bitcast_convert_type3A_113 : vector<64x1xi32> -> vector<64x1xi32>
        %ge3A_118 = arith.constant 0 : i32
        %ge3A_119 = vector.broadcast %ge3A_118 : i32 to vector<64x1xi32>
        %ge3A_120 = arith.cmpi sge, %bitcast_convert_type3A_113, %ge3A_119 : vector<64x1xi32>
        %xor3A_121 = arith.constant -2147483648 : i32
        %xor3A_122 = vector.broadcast %xor3A_121 : i32 to vector<64x1xi32>
        %xor3A_123 = arith.xori %bitcast_convert_type3A_117, %xor3A_122 : vector<64x1xi32>
        %not3A_124 = arith.constant dense<-1> : vector<64x1xi32>
        %not3A_125 = arith.xori %xor3A_123, %not3A_124 : vector<64x1xi32>
        %select_n3A_126 = arith.select %ge3A_120, %bitcast_convert_type3A_117, %not3A_125 : vector<64x1xi1>, vector<64x1xi32>
        %bitcast_convert_type3A_127 = tpu.bitcast %select_n3A_126 : vector<64x1xi32> -> vector<64x1xf32>
        %gt3A_128 = vector.broadcast %bitcast_convert_type3A_127 : vector<64x1xf32> to vector<64x100352xf32>
        %gt3A_129 = arith.cmpf ogt, %get3A_116, %gt3A_128 : vector<64x100352xf32>
        %convert_element_type3A_130 = arith.extui %gt3A_129 : vector<64x100352xi1> to vector<64x100352xi32>
        %reduce_sum3A_131 = arith.constant dense<0> : vector<64xi32>
        %reduce_sum3A_132 = vector.multi_reduction <add>, %convert_element_type3A_130, %reduce_sum3A_131 [1] : vector<64x100352xi32> to vector<64xi32>
        %broadcast_in_dim3A_133 = vector.shape_cast %reduce_sum3A_132 : vector<64xi32> to vector<64x1xi32>
        %ge3A_134 = arith.constant 100 : i32
        %ge3A_135 = vector.broadcast %ge3A_134 : i32 to vector<64x1xi32>
        %ge3A_136 = arith.cmpi sge, %broadcast_in_dim3A_133, %ge3A_135 : vector<64x1xi32>
        %lt3A_137 = arith.cmpi slt, %while3A_92, %while3A_93 : vector<64x1xi32>
        %and3A = arith.andi %lt3A_137, %ge3A_136 : vector<64x1xi1>
        %select_n3A_138 = arith.select %and3A, %bitcast_convert_type3A_113, %while3A_92 : vector<64x1xi1>, vector<64x1xi32>
        %not3A_139 = arith.constant dense<true> : vector<64x1xi1>
        %not3A_140 = arith.xori %ge3A_136, %not3A_139 : vector<64x1xi1>
        %and3A_141 = arith.andi %lt3A_137, %not3A_140 : vector<64x1xi1>
        %sub3A_142 = arith.constant 1 : i32
        %sub3A_143 = vector.broadcast %sub3A_142 : i32 to vector<64x1xi32>
        %sub3A_144 = arith.subi %bitcast_convert_type3A_113, %sub3A_143 : vector<64x1xi32>
        %select_n3A_145 = arith.select %and3A_141, %sub3A_144, %while3A_93 : vector<64x1xi1>, vector<64x1xi32>
        scf.yield %select_n3A_138, %select_n3A_145 : vector<64x1xi32>, vector<64x1xi32>
      }
      %add3A = arith.constant 1 : i32
      %add3A_34 = vector.broadcast %add3A : i32 to vector<64x1xi32>
      %add3A_35 = arith.addi %while3A#0, %add3A_34 : vector<64x1xi32>
      %bitcast_convert_type3A_36 = tpu.bitcast %add3A_35 : vector<64x1xi32> -> vector<64x1xi32>
      %ge3A = arith.constant 0 : i32
      %ge3A_37 = vector.broadcast %ge3A : i32 to vector<64x1xi32>
      %ge3A_38 = arith.cmpi sge, %add3A_35, %ge3A_37 : vector<64x1xi32>
      %xor3A_39 = arith.constant -2147483648 : i32
      %xor3A_40 = vector.broadcast %xor3A_39 : i32 to vector<64x1xi32>
      %xor3A_41 = arith.xori %bitcast_convert_type3A_36, %xor3A_40 : vector<64x1xi32>
      %not3A_42 = arith.constant dense<-1> : vector<64x1xi32>
      %not3A_43 = arith.xori %xor3A_41, %not3A_42 : vector<64x1xi32>
      %select_n3A_44 = arith.select %ge3A_38, %bitcast_convert_type3A_36, %not3A_43 : vector<64x1xi1>, vector<64x1xi32>
      %bitcast_convert_type3A_45 = tpu.bitcast %select_n3A_44 : vector<64x1xi32> -> vector<64x1xf32>
      %get3A_46 = arith.constant 0 : index
      %get3A_47 = arith.constant 0 : index
      %get3A_48 = vector.load %arg6[%get3A_46, %get3A_47] : memref<64x100352xf32, #tpu.memory_space<vmem>>, vector<64x100352xf32>
      %bitcast_convert_type3A_49 = tpu.bitcast %add3A_35 : vector<64x1xi32> -> vector<64x1xi32>
      %ge3A_50 = arith.constant 0 : i32
      %ge3A_51 = vector.broadcast %ge3A_50 : i32 to vector<64x1xi32>
      %ge3A_52 = arith.cmpi sge, %add3A_35, %ge3A_51 : vector<64x1xi32>
      %xor3A_53 = arith.constant -2147483648 : i32
      %xor3A_54 = vector.broadcast %xor3A_53 : i32 to vector<64x1xi32>
      %xor3A_55 = arith.xori %bitcast_convert_type3A_49, %xor3A_54 : vector<64x1xi32>
      %not3A_56 = arith.constant dense<-1> : vector<64x1xi32>
      %not3A_57 = arith.xori %xor3A_55, %not3A_56 : vector<64x1xi32>
      %select_n3A_58 = arith.select %ge3A_52, %bitcast_convert_type3A_49, %not3A_57 : vector<64x1xi1>, vector<64x1xi32>
      %bitcast_convert_type3A_59 = tpu.bitcast %select_n3A_58 : vector<64x1xi32> -> vector<64x1xf32>
      %gt3A = vector.broadcast %bitcast_convert_type3A_59 : vector<64x1xf32> to vector<64x100352xf32>
      %gt3A_60 = arith.cmpf ogt, %get3A_48, %gt3A : vector<64x100352xf32>
      %convert_element_type3A_61 = arith.extui %gt3A_60 : vector<64x100352xi1> to vector<64x100352xi32>
      %reduce_sum3A = arith.constant dense<0> : vector<64xi32>
      %reduce_sum3A_62 = vector.multi_reduction <add>, %convert_element_type3A_61, %reduce_sum3A [1] : vector<64x100352xi32> to vector<64xi32>
      %broadcast_in_dim3A_63 = vector.shape_cast %reduce_sum3A_62 : vector<64xi32> to vector<64x1xi32>
      %get3A_64 = arith.constant 0 : index
      %get3A_65 = arith.constant 0 : index
      %get3A_66 = vector.load %arg6[%get3A_64, %get3A_65] : memref<64x100352xf32, #tpu.memory_space<vmem>>, vector<64x100352xf32>
      %eq3A_67 = vector.broadcast %bitcast_convert_type3A_45 : vector<64x1xf32> to vector<64x100352xf32>
      %eq3A_68 = arith.cmpf oeq, %get3A_66, %eq3A_67 : vector<64x100352xf32>
      %convert_element_type3A_69 = arith.extui %eq3A_68 : vector<64x100352xi1> to vector<64x100352xi32>
      %reduce_sum3A_70 = arith.constant dense<0> : vector<64xi32>
      %reduce_sum3A_71 = vector.multi_reduction <add>, %convert_element_type3A_69, %reduce_sum3A_70 [1] : vector<64x100352xi32> to vector<64xi32>
      %broadcast_in_dim3A_72 = vector.shape_cast %reduce_sum3A_71 : vector<64xi32> to vector<64x1xi32>
      %sub3A_73 = arith.constant 100 : i32
      %sub3A_74 = vector.broadcast %sub3A_73 : i32 to vector<64x1xi32>
      %sub3A_75 = arith.subi %sub3A_74, %broadcast_in_dim3A_63 : vector<64x1xi32>
      %eq3A_76 = arith.cmpi eq, %broadcast_in_dim3A_72, %sub3A_75 : vector<64x1xi32>
      %jit3A = arith.constant 100352 : i32
      %jit3A_77 = arith.constant 0 : i32
      %broadcast_in_dim3A_78 = vector.broadcast %jit3A : i32 to vector<64x1xi32>
      %broadcast_in_dim3A_79 = vector.broadcast %jit3A_77 : i32 to vector<64x1xi32>
      %select_n3A_80 = arith.select %eq3A_76, %broadcast_in_dim3A_78, %broadcast_in_dim3A_79 : vector<64x1xi1>, vector<64x1xi32>
      %jit3A_81 = arith.constant 100352 : i32
      %jit3A_82 = arith.constant 100351 : i32
      %broadcast_in_dim3A_83 = vector.broadcast %jit3A_81 : i32 to vector<64x1xi32>
      %broadcast_in_dim3A_84 = vector.broadcast %jit3A_82 : i32 to vector<64x1xi32>
      %select_n3A_85 = arith.select %eq3A_76, %broadcast_in_dim3A_83, %broadcast_in_dim3A_84 : vector<64x1xi1>, vector<64x1xi32>
      %while3A_86:2 = scf.while (%while3A_92 = %select_n3A_80, %while3A_93 = %select_n3A_85) : (vector<64x1xi32>, vector<64x1xi32>) -> (vector<64x1xi32>, vector<64x1xi32>) {
        %lt3A_94 = arith.cmpi slt, %while3A_92, %while3A_93 : vector<64x1xi32>
        %reduce_or3A = arith.constant 1.000000e+00 : f32
        %reduce_or3A_95 = arith.constant 0.000000e+00 : f32
        %reduce_or3A_96 = vector.broadcast %reduce_or3A : f32 to vector<64x1xf32>
        %reduce_or3A_97 = vector.broadcast %reduce_or3A_95 : f32 to vector<64x1xf32>
        %reduce_or3A_98 = arith.select %lt3A_94, %reduce_or3A_96, %reduce_or3A_97 : vector<64x1xi1>, vector<64x1xf32>
        %reduce_or3A_99 = vector.shape_cast %reduce_or3A_98 : vector<64x1xf32> to vector<1x64x1xf32>
        %reduce_or3A_100 = arith.constant dense<0xFF800000> : vector<1xf32>
        %reduce_or3A_101 = vector.multi_reduction <maximumf>, %reduce_or3A_99, %reduce_or3A_100 [1, 2] : vector<1x64x1xf32> to vector<1xf32>
        %reduce_or3A_102 = vector.shape_cast %reduce_or3A_101 : vector<1xf32> to vector<1x1x1xf32>
        %reduce_or3A_103 = vector.extract %reduce_or3A_102[0, 0, 0] : f32 from vector<1x1x1xf32>
        %reduce_or3A_104 = arith.constant 0.000000e+00 : f32
        %reduce_or3A_105 = arith.cmpf ogt, %reduce_or3A_103, %reduce_or3A_104 : f32
        scf.condition(%reduce_or3A_105) %while3A_92, %while3A_93 : vector<64x1xi32>, vector<64x1xi32>
      } do {
      ^bb0(%while3A_92: vector<64x1xi32>, %while3A_93: vector<64x1xi32>):
        %add3A_94 = arith.addi %while3A_92, %while3A_93 : vector<64x1xi32>
        %shift_right_arithmetic3A = arith.constant 1 : i32
        %shift_right_arithmetic3A_95 = vector.broadcast %shift_right_arithmetic3A : i32 to vector<64x1xi32>
        %shift_right_arithmetic3A_96 = arith.shrsi %add3A_94, %shift_right_arithmetic3A_95 : vector<64x1xi32>
        %iota3A = tpu.iota {dimensions = array<i32: 1>} : vector<64x100352xi32>
        %get3A_97 = arith.constant 0 : index
        %get3A_98 = arith.constant 0 : index
        %get3A_99 = vector.load %arg6[%get3A_97, %get3A_98] : memref<64x100352xf32, #tpu.memory_space<vmem>>, vector<64x100352xf32>
        %eq3A_100 = vector.broadcast %bitcast_convert_type3A_45 : vector<64x1xf32> to vector<64x100352xf32>
        %eq3A_101 = arith.cmpf oeq, %get3A_99, %eq3A_100 : vector<64x100352xf32>
        %le3A = vector.broadcast %shift_right_arithmetic3A_96 : vector<64x1xi32> to vector<64x100352xi32>
        %le3A_102 = arith.cmpi sle, %iota3A, %le3A : vector<64x100352xi32>
        %and3A = arith.andi %eq3A_101, %le3A_102 : vector<64x100352xi1>
        %convert_element_type3A_103 = arith.extui %and3A : vector<64x100352xi1> to vector<64x100352xi32>
        %reduce_sum3A_104 = arith.constant dense<0> : vector<64xi32>
        %reduce_sum3A_105 = vector.multi_reduction <add>, %convert_element_type3A_103, %reduce_sum3A_104 [1] : vector<64x100352xi32> to vector<64xi32>
        %broadcast_in_dim3A_106 = vector.shape_cast %reduce_sum3A_105 : vector<64xi32> to vector<64x1xi32>
        %ge3A_107 = arith.cmpi sge, %broadcast_in_dim3A_106, %sub3A_75 : vector<64x1xi32>
        %lt3A_108 = arith.cmpi slt, %while3A_92, %while3A_93 : vector<64x1xi32>
        %not3A_109 = arith.constant dense<true> : vector<64x1xi1>
        %not3A_110 = arith.xori %ge3A_107, %not3A_109 : vector<64x1xi1>
        %and3A_111 = arith.andi %lt3A_108, %not3A_110 : vector<64x1xi1>
        %add3A_112 = arith.constant 1 : i32
        %add3A_113 = vector.broadcast %add3A_112 : i32 to vector<64x1xi32>
        %add3A_114 = arith.addi %shift_right_arithmetic3A_96, %add3A_113 : vector<64x1xi32>
        %select_n3A_115 = arith.select %and3A_111, %add3A_114, %while3A_92 : vector<64x1xi1>, vector<64x1xi32>
        %and3A_116 = arith.andi %lt3A_108, %ge3A_107 : vector<64x1xi1>
        %select_n3A_117 = arith.select %and3A_116, %shift_right_arithmetic3A_96, %while3A_93 : vector<64x1xi1>, vector<64x1xi32>
        scf.yield %select_n3A_115, %select_n3A_117 : vector<64x1xi32>, vector<64x1xi32>
      }
      %swap3A = arith.constant 0 : index
      %swap3A_87 = arith.constant 0 : index
      %swap3A_88 = vector.load %arg4[%swap3A, %swap3A_87] : memref<64x1xi32, #tpu.memory_space<vmem>>, vector<64x1xi32>
      tpu.vector_store %arg4[%swap3A, %swap3A_87], %add3A_35 {strides = array<i32>} : memref<64x1xi32, #tpu.memory_space<vmem>>, vector<64x1xi32>,
      %swap3A_89 = arith.constant 0 : index
      %swap3A_90 = arith.constant 0 : index
      %swap3A_91 = vector.load %arg5[%swap3A_89, %swap3A_90] : memref<64x1xi32, #tpu.memory_space<vmem>>, vector<64x1xi32>
      tpu.vector_store %arg5[%swap3A_89, %swap3A_90], %while3A_86#0 {strides = array<i32>} : memref<64x1xi32, #tpu.memory_space<vmem>>, vector<64x1xi32>,
    } else {
    }
    return
  }
  func.func @transform_0(%arg0: i32, %arg1: i32) -> (i32, i32) {
    %c0_i32 = arith.constant 0 : i32
    %c0_i32_0 = arith.constant 0 : i32
    return %arg0, %c0_i32 : i32, i32
  }
  func.func @transform_1(%arg0: i32, %arg1: i32) -> (i32, i32) {
    %min3A = arith.constant 48 : i32
    %min3A_0 = arith.minsi %arg1, %min3A : i32
    %c0_i32 = arith.constant 0 : i32
    %c0_i32_1 = arith.constant 0 : i32
    return %c0_i32, %min3A_0 : i32, i32
  }
  func.func @transform_2(%arg0: i32, %arg1: i32) -> (i32, i32) {
    %c0_i32 = arith.constant 0 : i32
    %c0_i32_0 = arith.constant 0 : i32
    return %arg0, %c0_i32 : i32, i32
  }
  func.func @transform_3(%arg0: i32, %arg1: i32) -> (i32, i32) {
    %c0_i32 = arith.constant 0 : i32
    %c0_i32_0 = arith.constant 0 : i32
    return %arg0, %c0_i32 : i32, i32
  }
}

module attributes {stable_mosaic.version = 14 : i64} {
  func.func @_acc_kernel(%arg0: i32, %arg1: memref<1024x64xf32, #tpu.memory_space<vmem>>, %arg2: memref<64x2048xf32, #tpu.memory_space<vmem>>, %arg3: memref<2048x256xf32, #tpu.memory_space<vmem>>, %arg4: memref<1024x1xi32, #tpu.memory_space<vmem>>, %arg5: memref<1024x1xi32, #tpu.memory_space<vmem>>, %arg6: memref<1024x256xf32, #tpu.memory_space<vmem>>, %arg7: memref<1024x256xf32, #tpu.memory_space<vmem>>) attributes {dimension_semantics = [#tpu.dimension_semantics<arbitrary>], iteration_bounds = array<i64: 49>, scalar_prefetch = 0 : i64, scratch_operands = 1 : i64, tpu.core_type = #tpu.core_type<tc>, window_params = [{pipeline_mode = #tpu.pipeline_mode<synchronous>, transform_indices = @transform_0, window_bounds = array<i64: 1024, 64>}, {transform_indices = @transform_1, window_bounds = array<i64: 64, 2048>}, {transform_indices = @transform_2, window_bounds = array<i64: 2048, 256>}, {pipeline_mode = #tpu.pipeline_mode<synchronous>, transform_indices = @transform_3, window_bounds = array<i64: 1024, 1>}, {pipeline_mode = #tpu.pipeline_mode<synchronous>, transform_indices = @transform_4, window_bounds = array<i64: 1024, 1>}, {pipeline_mode = #tpu.pipeline_mode<synchronous>, transform_indices = @transform_5, window_bounds = array<i64: 1024, 256>}]} {
    %get3A = arith.constant 0 : index
    %get3A_0 = arith.constant 0 : index
    %get3A_1 = vector.load %arg1[%get3A, %get3A_0] : memref<1024x64xf32, #tpu.memory_space<vmem>>, vector<1024x64xf32>
    %get3A_2 = arith.constant 0 : index
    %get3A_3 = arith.constant 0 : index
    %get3A_4 = vector.load %arg2[%get3A_2, %get3A_3] : memref<64x2048xf32, #tpu.memory_space<vmem>>, vector<64x2048xf32>
    %dot_general3A = arith.constant dense<0.000000e+00> : vector<1024x2048xf32>
    %dot_general3A_5 = tpu.matmul %get3A_1, %get3A_4, %dot_general3A {dimension_numbers = #tpu.dot_dimension_numbers<[1], [0], [0], [1], [0, 0, 1, 1], [], []>, transpose_lhs_hint = false} : vector<1024x64xf32>, vector<64x2048xf32>, vector<1024x2048xf32> -> vector<1024x2048xf32>
    %mul3A = arith.constant 2048 : i32
    %mul3A_6 = arith.muli %arg0, %mul3A : i32
    %iota3A = tpu.iota {dimensions = array<i32: 1>} : vector<1024x2048xi32>
    %add3A = vector.broadcast %mul3A_6 : i32 to vector<1024x2048xi32>
    %add3A_7 = arith.addi %add3A, %iota3A : vector<1024x2048xi32>
    %get3A_8 = arith.constant 0 : index
    %get3A_9 = arith.constant 0 : index
    %get3A_10 = vector.load %arg4[%get3A_8, %get3A_9] : memref<1024x1xi32, #tpu.memory_space<vmem>>, vector<1024x1xi32>
    %bitcast_convert_type3A = tpu.bitcast %get3A_10 : vector<1024x1xi32> -> vector<1024x1xi32>
    %ge3A = arith.constant 0 : i32
    %ge3A_11 = vector.broadcast %ge3A : i32 to vector<1024x1xi32>
    %ge3A_12 = arith.cmpi sge, %get3A_10, %ge3A_11 : vector<1024x1xi32>
    %xor3A = arith.constant -2147483648 : i32
    %xor3A_13 = vector.broadcast %xor3A : i32 to vector<1024x1xi32>
    %xor3A_14 = arith.xori %bitcast_convert_type3A, %xor3A_13 : vector<1024x1xi32>
    %not3A = arith.constant dense<-1> : vector<1024x1xi32>
    %not3A_15 = arith.xori %xor3A_14, %not3A : vector<1024x1xi32>
    %select_n3A = arith.select %ge3A_12, %bitcast_convert_type3A, %not3A_15 : vector<1024x1xi1>, vector<1024x1xi32>
    %bitcast_convert_type3A_16 = tpu.bitcast %select_n3A : vector<1024x1xi32> -> vector<1024x1xf32>
    %gt3A = vector.broadcast %bitcast_convert_type3A_16 : vector<1024x1xf32> to vector<1024x2048xf32>
    %gt3A_17 = arith.cmpf ogt, %dot_general3A_5, %gt3A : vector<1024x2048xf32>
    %eq3A = vector.broadcast %bitcast_convert_type3A_16 : vector<1024x1xf32> to vector<1024x2048xf32>
    %eq3A_18 = arith.cmpf oeq, %dot_general3A_5, %eq3A : vector<1024x2048xf32>
    %get3A_19 = arith.constant 0 : index
    %get3A_20 = arith.constant 0 : index
    %get3A_21 = vector.load %arg5[%get3A_19, %get3A_20] : memref<1024x1xi32, #tpu.memory_space<vmem>>, vector<1024x1xi32>
    %le3A = vector.broadcast %get3A_21 : vector<1024x1xi32> to vector<1024x2048xi32>
    %le3A_22 = arith.cmpi sle, %add3A_7, %le3A : vector<1024x2048xi32>
    %and3A = arith.andi %eq3A_18, %le3A_22 : vector<1024x2048xi1>
    %or3A = arith.ori %gt3A_17, %and3A : vector<1024x2048xi1>
    %jit3A = arith.constant 0.000000e+00 : f32
    %broadcast_in_dim3A = vector.broadcast %jit3A : f32 to vector<1024x2048xf32>
    %select_n3A_23 = arith.select %or3A, %dot_general3A_5, %broadcast_in_dim3A : vector<1024x2048xi1>, vector<1024x2048xf32>
    %eq3A_24 = arith.constant 0 : i32
    %eq3A_25 = arith.cmpi eq, %arg0, %eq3A_24 : i32
    %convert_element_type3A = arith.extui %eq3A_25 : i1 to i32
    %cond3A = arith.constant 0 : i32
    %cond3A_26 = arith.cmpi ne, %convert_element_type3A, %cond3A : i32
    scf.if %cond3A_26 {
      %broadcast_in_dim3A_43 = arith.constant 0.000000e+00 : f32
      %broadcast_in_dim3A_44 = vector.broadcast %broadcast_in_dim3A_43 : f32 to vector<1024x256xf32>
      %swap3A_45 = arith.constant 0 : index
      %swap3A_46 = arith.constant 0 : index
      %swap3A_47 = vector.load %arg7[%swap3A_45, %swap3A_46] : memref<1024x256xf32, #tpu.memory_space<vmem>>, vector<1024x256xf32>
      tpu.vector_store %arg7[%swap3A_45, %swap3A_46], %broadcast_in_dim3A_44 {strides = array<i32>} : memref<1024x256xf32, #tpu.memory_space<vmem>>, vector<1024x256xf32>,
    } else {
    }
    %get3A_27 = arith.constant 0 : index
    %get3A_28 = arith.constant 0 : index
    %get3A_29 = vector.load %arg7[%get3A_27, %get3A_28] : memref<1024x256xf32, #tpu.memory_space<vmem>>, vector<1024x256xf32>
    %get3A_30 = arith.constant 0 : index
    %get3A_31 = arith.constant 0 : index
    %get3A_32 = vector.load %arg3[%get3A_30, %get3A_31] : memref<2048x256xf32, #tpu.memory_space<vmem>>, vector<2048x256xf32>
    %dot_general3A_33 = arith.constant dense<0.000000e+00> : vector<1024x256xf32>
    %dot_general3A_34 = tpu.matmul %select_n3A_23, %get3A_32, %dot_general3A_33 {dimension_numbers = #tpu.dot_dimension_numbers<[1], [0], [0], [1], [0, 0, 1, 1], [], []>, transpose_lhs_hint = false} : vector<1024x2048xf32>, vector<2048x256xf32>, vector<1024x256xf32> -> vector<1024x256xf32>
    %add3A_35 = arith.addf %get3A_29, %dot_general3A_34 : vector<1024x256xf32>
    %swap3A = arith.constant 0 : index
    %swap3A_36 = arith.constant 0 : index
    %swap3A_37 = vector.load %arg7[%swap3A, %swap3A_36] : memref<1024x256xf32, #tpu.memory_space<vmem>>, vector<1024x256xf32>
    tpu.vector_store %arg7[%swap3A, %swap3A_36], %add3A_35 {strides = array<i32>} : memref<1024x256xf32, #tpu.memory_space<vmem>>, vector<1024x256xf32>,
    %eq3A_38 = arith.constant 48 : i32
    %eq3A_39 = arith.cmpi eq, %arg0, %eq3A_38 : i32
    %convert_element_type3A_40 = arith.extui %eq3A_39 : i1 to i32
    %cond3A_41 = arith.constant 0 : i32
    %cond3A_42 = arith.cmpi ne, %convert_element_type3A_40, %cond3A_41 : i32
    scf.if %cond3A_42 {
      %get3A_43 = arith.constant 0 : index
      %get3A_44 = arith.constant 0 : index
      %get3A_45 = vector.load %arg7[%get3A_43, %get3A_44] : memref<1024x256xf32, #tpu.memory_space<vmem>>, vector<1024x256xf32>
      %swap3A_46 = arith.constant 0 : index
      %swap3A_47 = arith.constant 0 : index
      %swap3A_48 = vector.load %arg6[%swap3A_46, %swap3A_47] : memref<1024x256xf32, #tpu.memory_space<vmem>>, vector<1024x256xf32>
      tpu.vector_store %arg6[%swap3A_46, %swap3A_47], %get3A_45 {strides = array<i32>} : memref<1024x256xf32, #tpu.memory_space<vmem>>, vector<1024x256xf32>,
    } else {
    }
    return
  }
  func.func @transform_0(%arg0: i32) -> (i32, i32) {
    %c0_i32 = arith.constant 0 : i32
    %c0_i32_0 = arith.constant 0 : i32
    %c0_i32_1 = arith.constant 0 : i32
    return %c0_i32, %c0_i32_0 : i32, i32
  }
  func.func @transform_1(%arg0: i32) -> (i32, i32) {
    %c0_i32 = arith.constant 0 : i32
    %c0_i32_0 = arith.constant 0 : i32
    return %c0_i32, %arg0 : i32, i32
  }
  func.func @transform_2(%arg0: i32) -> (i32, i32) {
    %c0_i32 = arith.constant 0 : i32
    %c0_i32_0 = arith.constant 0 : i32
    return %arg0, %c0_i32 : i32, i32
  }
  func.func @transform_3(%arg0: i32) -> (i32, i32) {
    %c0_i32 = arith.constant 0 : i32
    %c0_i32_0 = arith.constant 0 : i32
    %c0_i32_1 = arith.constant 0 : i32
    return %c0_i32, %c0_i32_0 : i32, i32
  }
  func.func @transform_4(%arg0: i32) -> (i32, i32) {
    %c0_i32 = arith.constant 0 : i32
    %c0_i32_0 = arith.constant 0 : i32
    %c0_i32_1 = arith.constant 0 : i32
    return %c0_i32, %c0_i32_0 : i32, i32
  }
  func.func @transform_5(%arg0: i32) -> (i32, i32) {
    %c0_i32 = arith.constant 0 : i32
    %c0_i32_0 = arith.constant 0 : i32
    %c0_i32_1 = arith.constant 0 : i32
    return %c0_i32, %c0_i32_0 : i32, i32
  }
}

module attributes {stable_mosaic.version = 14 : i64} {
  func.func @_gru_kernel(%arg0: memref<1024x64xf32, #tpu.memory_space<vmem>>, %arg1: memref<1024x64xf32, #tpu.memory_space<vmem>>, %arg2: memref<64x192xf32, #tpu.memory_space<vmem>>, %arg3: memref<64x192xf32, #tpu.memory_space<vmem>>, %arg4: memref<1x192xf32, #tpu.memory_space<vmem>>, %arg5: memref<1x64xf32, #tpu.memory_space<vmem>>, %arg6: memref<1x64xf32, #tpu.memory_space<vmem>>, %arg7: memref<1024x64xf32, #tpu.memory_space<vmem>>, %arg8: memref<1024x64xf32, #tpu.memory_space<vmem>>) attributes {dimension_semantics = [], scalar_prefetch = 0 : i64, scratch_operands = 0 : i64, tpu.core_type = #tpu.core_type<tc>} {
    %get3A = arith.constant 0 : index
    %get3A_0 = arith.constant 0 : index
    %get3A_1 = vector.load %arg0[%get3A, %get3A_0] : memref<1024x64xf32, #tpu.memory_space<vmem>>, vector<1024x64xf32>
    %get3A_2 = arith.constant 0 : index
    %get3A_3 = arith.constant 0 : index
    %get3A_4 = vector.load %arg1[%get3A_2, %get3A_3] : memref<1024x64xf32, #tpu.memory_space<vmem>>, vector<1024x64xf32>
    %get3A_5 = arith.constant 0 : index
    %get3A_6 = arith.constant 0 : index
    %get3A_7 = vector.load %arg2[%get3A_5, %get3A_6] : memref<64x192xf32, #tpu.memory_space<vmem>>, vector<64x192xf32>
    %dot_general3A = arith.constant dense<0.000000e+00> : vector<1024x192xf32>
    %dot_general3A_8 = tpu.matmul %get3A_1, %get3A_7, %dot_general3A {dimension_numbers = #tpu.dot_dimension_numbers<[1], [0], [0], [1], [0, 0, 1, 1], [], []>, transpose_lhs_hint = false} : vector<1024x64xf32>, vector<64x192xf32>, vector<1024x192xf32> -> vector<1024x192xf32>
    %get3A_9 = arith.constant 0 : index
    %get3A_10 = arith.constant 0 : index
    %get3A_11 = vector.load %arg3[%get3A_9, %get3A_10] : memref<64x192xf32, #tpu.memory_space<vmem>>, vector<64x192xf32>
    %dot_general3A_12 = arith.constant dense<0.000000e+00> : vector<1024x192xf32>
    %dot_general3A_13 = tpu.matmul %get3A_4, %get3A_11, %dot_general3A_12 {dimension_numbers = #tpu.dot_dimension_numbers<[1], [0], [0], [1], [0, 0, 1, 1], [], []>, transpose_lhs_hint = false} : vector<1024x64xf32>, vector<64x192xf32>, vector<1024x192xf32> -> vector<1024x192xf32>
    %get3A_14 = arith.constant 0 : index
    %get3A_15 = arith.constant 0 : index
    %get3A_16 = vector.load %arg4[%get3A_14, %get3A_15] : memref<1x192xf32, #tpu.memory_space<vmem>>, vector<1x192xf32>
    %slice3A = vector.extract_strided_slice %dot_general3A_8 {offsets = [0, 0], sizes = [1024, 64], strides = [1, 1]} : vector<1024x192xf32> to vector<1024x64xf32>
    %slice3A_17 = vector.extract_strided_slice %dot_general3A_13 {offsets = [0, 0], sizes = [1024, 64], strides = [1, 1]} : vector<1024x192xf32> to vector<1024x64xf32>
    %add3A = arith.addf %slice3A, %slice3A_17 : vector<1024x64xf32>
    %slice3A_18 = vector.extract_strided_slice %get3A_16 {offsets = [0, 0], sizes = [1, 64], strides = [1, 1]} : vector<1x192xf32> to vector<1x64xf32>
    %add3A_19 = vector.broadcast %slice3A_18 : vector<1x64xf32> to vector<1024x64xf32>
    %add3A_20 = arith.addf %add3A, %add3A_19 : vector<1024x64xf32>
    %logistic3A = arith.negf %add3A_20 : vector<1024x64xf32>
    %logistic3A_21 = math.exp %logistic3A : vector<1024x64xf32>
    %logistic3A_22 = arith.constant 1.000000e+00 : f32
    %logistic3A_23 = vector.broadcast %logistic3A_22 : f32 to vector<1024x64xf32>
    %logistic3A_24 = arith.addf %logistic3A_23, %logistic3A_21 : vector<1024x64xf32>
    %logistic3A_25 = arith.divf %logistic3A_23, %logistic3A_24 : vector<1024x64xf32>
    %slice3A_26 = vector.extract_strided_slice %dot_general3A_8 {offsets = [0, 64], sizes = [1024, 64], strides = [1, 1]} : vector<1024x192xf32> to vector<1024x64xf32>
    %slice3A_27 = vector.extract_strided_slice %dot_general3A_13 {offsets = [0, 64], sizes = [1024, 64], strides = [1, 1]} : vector<1024x192xf32> to vector<1024x64xf32>
    %add3A_28 = arith.addf %slice3A_26, %slice3A_27 : vector<1024x64xf32>
    %slice3A_29 = vector.extract_strided_slice %get3A_16 {offsets = [0, 64], sizes = [1, 64], strides = [1, 1]} : vector<1x192xf32> to vector<1x64xf32>
    %add3A_30 = vector.broadcast %slice3A_29 : vector<1x64xf32> to vector<1024x64xf32>
    %add3A_31 = arith.addf %add3A_28, %add3A_30 : vector<1024x64xf32>
    %logistic3A_32 = arith.negf %add3A_31 : vector<1024x64xf32>
    %logistic3A_33 = math.exp %logistic3A_32 : vector<1024x64xf32>
    %logistic3A_34 = arith.constant 1.000000e+00 : f32
    %logistic3A_35 = vector.broadcast %logistic3A_34 : f32 to vector<1024x64xf32>
    %logistic3A_36 = arith.addf %logistic3A_35, %logistic3A_33 : vector<1024x64xf32>
    %logistic3A_37 = arith.divf %logistic3A_35, %logistic3A_36 : vector<1024x64xf32>
    %slice3A_38 = vector.extract_strided_slice %dot_general3A_8 {offsets = [0, 128], sizes = [1024, 64], strides = [1, 1]} : vector<1024x192xf32> to vector<1024x64xf32>
    %slice3A_39 = vector.extract_strided_slice %dot_general3A_13 {offsets = [0, 128], sizes = [1024, 64], strides = [1, 1]} : vector<1024x192xf32> to vector<1024x64xf32>
    %mul3A = arith.mulf %logistic3A_37, %slice3A_39 : vector<1024x64xf32>
    %add3A_40 = arith.addf %slice3A_38, %mul3A : vector<1024x64xf32>
    %slice3A_41 = vector.extract_strided_slice %get3A_16 {offsets = [0, 128], sizes = [1, 64], strides = [1, 1]} : vector<1x192xf32> to vector<1x64xf32>
    %add3A_42 = vector.broadcast %slice3A_41 : vector<1x64xf32> to vector<1024x64xf32>
    %add3A_43 = arith.addf %add3A_40, %add3A_42 : vector<1024x64xf32>
    %tanh3A = math.tanh %add3A_43 : vector<1024x64xf32>
    %sub3A = arith.constant 1.000000e+00 : f32
    %sub3A_44 = vector.broadcast %sub3A : f32 to vector<1024x64xf32>
    %sub3A_45 = arith.subf %sub3A_44, %logistic3A_25 : vector<1024x64xf32>
    %mul3A_46 = arith.mulf %sub3A_45, %get3A_4 : vector<1024x64xf32>
    %mul3A_47 = arith.mulf %logistic3A_25, %tanh3A : vector<1024x64xf32>
    %add3A_48 = arith.addf %mul3A_46, %mul3A_47 : vector<1024x64xf32>
    %reduce_sum3A = arith.constant dense<0.000000e+00> : vector<1024xf32>
    %reduce_sum3A_49 = vector.multi_reduction <add>, %add3A_48, %reduce_sum3A [1] : vector<1024x64xf32> to vector<1024xf32>
    %broadcast_in_dim3A = vector.shape_cast %reduce_sum3A_49 : vector<1024xf32> to vector<1024x1xf32>
    %div3A = arith.constant 6.400000e+01 : f32
    %div3A_50 = vector.broadcast %div3A : f32 to vector<1024x1xf32>
    %div3A_51 = arith.divf %broadcast_in_dim3A, %div3A_50 : vector<1024x1xf32>
    %sub3A_52 = vector.broadcast %div3A_51 : vector<1024x1xf32> to vector<1024x64xf32>
    %sub3A_53 = arith.subf %add3A_48, %sub3A_52 : vector<1024x64xf32>
    %integer_pow3A = arith.mulf %sub3A_53, %sub3A_53 : vector<1024x64xf32>
    %reduce_sum3A_54 = arith.constant dense<0.000000e+00> : vector<1024xf32>
    %reduce_sum3A_55 = vector.multi_reduction <add>, %integer_pow3A, %reduce_sum3A_54 [1] : vector<1024x64xf32> to vector<1024xf32>
    %broadcast_in_dim3A_56 = vector.shape_cast %reduce_sum3A_55 : vector<1024xf32> to vector<1024x1xf32>
    %div3A_57 = arith.constant 6.400000e+01 : f32
    %div3A_58 = vector.broadcast %div3A_57 : f32 to vector<1024x1xf32>
    %div3A_59 = arith.divf %broadcast_in_dim3A_56, %div3A_58 : vector<1024x1xf32>
    %sub3A_60 = vector.broadcast %div3A_51 : vector<1024x1xf32> to vector<1024x64xf32>
    %sub3A_61 = arith.subf %add3A_48, %sub3A_60 : vector<1024x64xf32>
    %add3A_62 = arith.constant 9.99999993E-9 : f32
    %add3A_63 = vector.broadcast %add3A_62 : f32 to vector<1024x1xf32>
    %add3A_64 = arith.addf %div3A_59, %add3A_63 : vector<1024x1xf32>
    %sqrt3A = math.sqrt %add3A_64 : vector<1024x1xf32>
    %div3A_65 = vector.broadcast %sqrt3A : vector<1024x1xf32> to vector<1024x64xf32>
    %div3A_66 = arith.divf %sub3A_61, %div3A_65 : vector<1024x64xf32>
    %get3A_67 = arith.constant 0 : index
    %get3A_68 = arith.constant 0 : index
    %get3A_69 = vector.load %arg5[%get3A_67, %get3A_68] : memref<1x64xf32, #tpu.memory_space<vmem>>, vector<1x64xf32>
    %mul3A_70 = vector.broadcast %get3A_69 : vector<1x64xf32> to vector<1024x64xf32>
    %mul3A_71 = arith.mulf %div3A_66, %mul3A_70 : vector<1024x64xf32>
    %get3A_72 = arith.constant 0 : index
    %get3A_73 = arith.constant 0 : index
    %get3A_74 = vector.load %arg6[%get3A_72, %get3A_73] : memref<1x64xf32, #tpu.memory_space<vmem>>, vector<1x64xf32>
    %add3A_75 = vector.broadcast %get3A_74 : vector<1x64xf32> to vector<1024x64xf32>
    %add3A_76 = arith.addf %mul3A_71, %add3A_75 : vector<1024x64xf32>
    %swap3A = arith.constant 0 : index
    %swap3A_77 = arith.constant 0 : index
    %swap3A_78 = vector.load %arg7[%swap3A, %swap3A_77] : memref<1024x64xf32, #tpu.memory_space<vmem>>, vector<1024x64xf32>
    tpu.vector_store %arg7[%swap3A, %swap3A_77], %add3A_48 {strides = array<i32>} : memref<1024x64xf32, #tpu.memory_space<vmem>>, vector<1024x64xf32>,
    %swap3A_79 = arith.constant 0 : index
    %swap3A_80 = arith.constant 0 : index
    %swap3A_81 = vector.load %arg8[%swap3A_79, %swap3A_80] : memref<1024x64xf32, #tpu.memory_space<vmem>>, vector<1024x64xf32>
    tpu.vector_store %arg8[%swap3A_79, %swap3A_80], %add3A_76 {strides = array<i32>} : memref<1024x64xf32, #tpu.memory_space<vmem>>, vector<1024x64xf32>,
    return
  }
}

</mosaic_0001>

<sc_bundles>
// kernel: kernel.15.cloned.1.call-start
scs
__scs_entry_jumppad:
0x0: {  	(pc) =	sbr.rel $0x88, $3  }
0x1: {  	(tag) =	ssettag $0x0;
	lr =	simm.s32 $0x1  }
0x2: {  	[smem:$0x3F97] =	sst lr;
	_ =	strace $0xD0000000  }
0x3: {  	_ = 	snop  }
0x4: {  	_ = 	snop  }
0x5: {  	_ = 	snop  }
0x6: {  	_ = 	snop  }
0x7: {  	_ = 	snop  }
__scs_overlays_trampoline_lowered:
0x8: {  	[smem:$0x3FA6] =	sst s0  }
0x9: {  	[smem:$0x3FA7] =	sst s1  }
0xa: {  	[smem:$0x3FA8] =	sst s2  }
0xb: {  	[smem:$0x3FA9] =	sst s3  }
0xc: {  	[smem:$0x3FAA] =	sst s4  }
0xd: {  	[smem:$0x3FAB] =	sst s5  }
0xe: {  	[smem:$0x3FAC] =	sst s6  }
0xf: {  	[smem:$0x3FAD] =	sst s7  }
0x10: {  	[smem:$0x3FAE] =	sst s8  }
0x11: {  	[smem:$0x3FAF] =	sst s9;
	s0 =	simm.s32 @!p0 $0x0  }
0x12: {  	s1 =	sld [smem:$0x3F95];
	s0 =	simm.s32 @p0 $0x1  }
0x13: {  	[smem:$0x3FB0] =	sst s0;
	s0 =	simm.s32 @!p1 $0x0  }
0x14: {  	s2 =	sld [smem:$0x3F94];
	s0 =	simm.s32 @p1 $0x1  }
0x15: {  	[smem:$0x3FB1] =	sst s0;
	s0 =	simm.s32 @!p2 $0x0  }
0x16: {  	s3 =	sld [smem:$0x3FDB];
	s0 =	simm.s32 @p2 $0x1  }
0x17: {  	s4 =	simm.s32 $0x1BF5;
	[smem:$0x3FB3] =	sst s0  }
0x18: {  	s0 =	sld [smem:$0x3F96];
	_ =	swait.ge [sflag:s4], $0x0  }
0x19: {  	s7 =	sld [smem:$0x3F97]  }
0x1a: {  	s8 =	sadd.s32 $0xFFFFE003, lr  }
0x1b: {  	s9 =	sadd.s32 $0xFFFFFEF7, lr;
	s5 =	simm.s32 $0xFFFFFFFF;
	p2 =	slt.u32 s8, $0xFFFFF086  }
0x1c: {  	p1 =	slt.u32 s9, $0xF7A;
	s5 =	simm.s32 @!p2 $0x0  }
0x1d: {  	s5 =	simm.s32 @p1 $0x1;
	p0 =	seq.s32 s7, s2  }
0x1e: {  	s7 =	smul.u32 @!p0 $0xF7A, s2;
	p2 =	seq.s32 @!p0 s5, $0x0  }
0x1f: {  	s9 =	smul.u32 $0xF7A, s1;
	s8 =	simm.s32 @!p0 $0x1BF5;
	p2 =	por !p2, p0  }
0x20: {  	[sflag:s8] =	ssyncset.s32 @!p0 $0xFFFFF086;
	s6 =	sadd.s32 @!p0 s3, s7;
	s7 =	simm.s32 @!p0 $0x108  }
0x21: {  	s3 =	sadd.s32 s3, s9;
	s6 =	sadd.s32 @!p0 $0x88, s6;
	s7 =	simm.s32 @p2 $0x1082  }
0x22: {  	[simem:s7], [sflag:s8] =	dma.local @!p0 [hbm:s6], $0xF7A  }
0x23: {  	s9 =	sor.u32 $0xD0000000, s2;
	s6 =	simm.s32 $0x108;
	_ =	swait.ge @!p0 [sflag:s8], $0x0  }
0x24: {  	s3 =	sadd.s32 $0x88, s3;
	s6 =	simm.s32 @!p1 $0x1082;
	[sflag:s4] =	ssyncset.s32 $0xFFFFF086  }
0x25: {  	[simem:s6], [sflag:s4] =	dma.local [hbm:s3], $0xF7A  }
0x26: {  	[smem:$0x3F97] =	sst s1;
	(tag) =	ssettag s2;
	_ =	strace s9  }
0x27: {  	s1 =	sld [smem:$0x3FA7]  }
0x28: {  	s2 =	sld [smem:$0x3FA8]  }
0x29: {  	s4 =	sld [smem:$0x3FAA]  }
0x2a: {  	p0 =	seq.s32 s5, $0x0;
	s5 =	sld [smem:$0x3FAB]  }
0x2b: {  	s6 =	sld [smem:$0x3FAC]  }
0x2c: {  	s7 =	sld [smem:$0x3FAD]  }
0x2d: {  	s3 =	simm.s32 $0x108;
	s8 =	sld [smem:$0x3FAE]  }
0x2e: {  	s3 =	simm.s32 @!p0 $0x1082;
	s9 =	sld [smem:$0x3FAF]  }
0x2f: {  	lr =	sadd.s32 s0, s3;
	s0 =	sld [smem:$0x3FA6]  }
0x30: {  	s3 =	sld [smem:$0x3FA9]  }
0x31: {  	[smem:$0x3FB2] =	sst s10  }
0x32: {  	s10 =	sld [smem:$0x3FB0];
	_ =	sdelay $0x3  }
0x33: {  	p0 =	seq.s32 s10, $0x1;
	s10 =	sld [smem:$0x3FB2];
	_ =	sdelay $0x3  }
0x34: {  	[smem:$0x3FB2] =	sst s10  }
0x35: {  	s10 =	sld [smem:$0x3FB1];
	_ =	sdelay $0x3  }
0x36: {  	p1 =	seq.s32 s10, $0x1;
	s10 =	sld [smem:$0x3FB2];
	_ =	sdelay $0x3  }
0x37: {  	[smem:$0x3FB2] =	sst s10  }
0x38: {  	s10 =	sld [smem:$0x3FB3]  }
0x39: {  	_ = 	snop;
	(pc) =	sbr.ind lr, $3  }
0x3a: {  	_ = 	snop  }
0x3b: {  	_ = 	snop  }
0x3c: {  	p2 =	seq.s32 s10, $0x1;
	s10 =	sld [smem:$0x3FB2]  }
0x3d: {  	_ =	shalt  }
0x3e: {  	_ =	shalt  }
0x3f: {  	_ =	shalt  }
0x40: {  	_ =	shalt  }
0x41: {  	_ =	shalt  }
0x42: {  	_ =	shalt  }
0x43: {  	_ =	shalt  }
0x44: {  	_ =	shalt  }
0x45: {  	_ =	shalt  }
0x46: {  	_ =	shalt  }
0x47: {  	_ =	shalt  }
0x48: {  	_ =	shalt  }
0x49: {  	_ =	shalt  }
0x4a: {  	_ =	shalt  }
0x4b: {  	_ =	shalt  }
0x4c: {  	_ =	shalt  }
0x4d: {  	_ =	shalt  }
0x4e: {  	_ =	shalt  }
0x4f: {  	_ =	shalt  }
0x50: {  	_ =	shalt  }
0x51: {  	_ =	shalt  }
0x52: {  	_ =	shalt  }
0x53: {  	_ =	shalt  }
0x54: {  	_ =	shalt  }
0x55: {  	_ =	shalt  }
0x56: {  	_ =	shalt  }
0x57: {  	_ =	shalt  }
0x58: {  	_ =	shalt  }
0x59: {  	_ =	shalt  }
0x5a: {  	_ =	shalt  }
0x5b: {  	_ =	shalt  }
0x5c: {  	_ =	shalt  }
0x5d: {  	_ =	shalt  }
0x5e: {  	_ =	shalt  }
0x5f: {  	_ =	shalt  }
0x60: {  	_ =	shalt  }
0x61: {  	_ =	shalt  }
0x62: {  	_ =	shalt  }
0x63: {  	_ =	shalt  }
0x64: {  	_ =	shalt  }
0x65: {  	_ =	shalt  }
0x66: {  	_ =	shalt  }
0x67: {  	_ =	shalt  }
0x68: {  	_ =	shalt  }
0x69: {  	_ =	shalt  }
0x6a: {  	_ =	shalt  }
0x6b: {  	_ =	shalt  }
0x6c: {  	_ =	shalt  }
0x6d: {  	_ =	shalt  }
0x6e: {  	_ =	shalt  }
0x6f: {  	_ =	shalt  }
0x70: {  	_ =	shalt  }
0x71: {  	_ =	shalt  }
0x72: {  	_ =	shalt  }
0x73: {  	_ =	shalt  }
0x74: {  	_ =	shalt  }
0x75: {  	_ =	shalt  }
0x76: {  	_ =	shalt  }
0x77: {  	_ =	shalt  }
0x78: {  	_ =	shalt  }
0x79: {  	_ =	shalt  }
0x7a: {  	_ =	shalt  }
0x7b: {  	_ =	shalt  }
0x7c: {  	_ =	shalt  }
0x7d: {  	_ =	shalt  }
0x7e: {  	_ =	shalt  }
0x7f: {  	_ =	shalt  }
0x80: {  	_ =	shalt  }
0x81: {  	_ =	shalt  }
0x82: {  	_ =	shalt  }
0x83: {  	_ =	shalt  }
0x84: {  	_ =	shalt  }
0x85: {  	_ =	shalt  }
0x86: {  	_ =	shalt  }
0x87: {  	_ =	shalt  }
.Lfunc_end0:
.L_simem_size_0:
called_computation_lowered:
.L_overlay_start_0:
0x88: {  	s2 =	sld [smem:$0x3FD9]  }
0x89: {  	s3 =	sld [smem:$0x3FFE];
	_ =	sdelay $0x1  }
0x8a: {  	s1 =	srdreg.scid  }
0x8b: {  	s0 =	sand.u32 $0x1, s1  }
0x8c: {  	s14 =	sshll.u32 s0, $0xA;
	s2 =	sadd.s32 s3, s2  }
0x8d: {  	s2 =	sadd.s32 s2, s14  }
0x8e: {  	[smem:$0x3FBE] =	sst s2  }
0x8f: {  	_ = 	snop  }
0x90: {  	s2 =	sld [smem:$0x3FD0];
	_ =	sdelay $0x2  }
0x91: {  	s4 =	simm.s32 $0xA;
	s5 =	simm.s32 $0x10;
	s15 =	sld [smem:$0x3FC9]  }
0x92: {  	[smem:s5], [sflag:s4] =	dma.local [hbm:s2], $0x1  }
0x93: {  	_ =	swait.eq [sflag:s4], $0x1  }
0x94: {  	[sflag:s4] =	ssyncset.done $0x0  }
0x95: {  	[sflag:s4] =	ssyncadd.s32 $0xFFFFFFFF  }
0x96: {  	s16 =	sld [smem:$0x10];
	(tm) =	ssettm $0x1  }
0x97: {  	s17 =	sld [smem:$0x3FFB];
	_ =	sdelay $0x3  }
0x98: {  	_ =	strace s17  }
0x99: {  	s4 =	sld [smem:$0x3FFC];
	_ =	sdelay $0x3  }
0x9a: {  	_ =	strace s4  }
0x9b: {  	s4 =	sld [smem:$0x3FFD];
	_ =	sdelay $0x3  }
0x9c: {  	_ =	strace s4  }
0x9d: {  	_ =	strace $0x8FFFFFFF  }
0x9e: {  	s18 =	sld [smem:$0x3FDB];
	_ =	sdelay $0x1  }
0x9f: {  	s19 =	simm.s32 $_scs_section_size  }
0xa0: {  	s6 =	simm.s32 $_size__tile_overlayer_lowered;
	s7 =	simm.s32 $_tile_overlayer_lowered  }
0xa1: {  	s22 =	simm.s32 $0x1BFF;
	s21 =	sshll.u32 s7, $0x1;
	s4 =	sadd.s32 s19, s18  }
0xa2: {  	s8 =	simm.s32 $0x0;
	s20 =	sshll.u32 s6, $0x1;
	s6 =	sadd.s32 s21, s4  }
0xa3: {  	[timem:s8], [sflag:s22] =	dma.local [hbm:s6], s20  }
0xa4: {  	_ =	swait.ge [sflag:s22], s20  }
0xa5: {  	s5 =	ssub.s32 $0x0, s20;
	[sflag:s22] =	ssyncset.done $0x0  }
0xa6: {  	[sflag:s22] =	ssyncadd.s32 s5;
	_ =	sdelay $0x1  }
0xa7: {  	s23 =	simm.s32 $0x1B8B  }
0xa8: {  	_ =	swait.ge [sflag:s23], $0x1  }
0xa9: {  	[sflag:s23] =	ssyncset.done $0x0  }
0xaa: {  	s25 =	simm.s32 $0x1B8E;
	s24 =	sld [smem:$0x3FFE];
	[sflag:s23] =	ssyncadd.s32 $0xFFFFFFFF  }
0xab: {  	s26 =	simm.s32 $execute0_lowered;
	[smem:$0x3FD2] =	sst s25  }
0xac: {  	s6 =	sshll.u32 s26, $0x1;
	_ =	strace $0x80000046;
	[dreg:$0x1] =	wrdreg $0xFFFFFFFF  }
0xad: {  	s28 =	simm.s32 $_size_execute0_lowered;
	s4 =	sadd.s32 s4, s6;
	[dreg:$0x0] =	wrdreg $0x0  }
0xae: {  	s6 =	sshll.u32 s28, $0x1;
	[dreg:$0x2] =	wrdreg s4  }
0xaf: {  	[dreg:$0x3] =	wrdreg s6  }
0xb0: {  	[dreg:$0x4] =	wrdreg $0xC0  }
0xb1: {  	_ =	task [dreg:s8], $0x5FFFF  }
0xb2: {  	[dreg:$0x1] =	wrdreg $0xFFFFFFFF  }
0xb3: {  	[dreg:$0x0] =	wrdreg $0x60  }
0xb4: {  	[dreg:$0x2] =	wrdreg s24  }
0xb5: {  	[dreg:$0x3] =	wrdreg s15  }
0xb6: {  	[dreg:$0x4] =	wrdreg s16  }
0xb7: {  	[dreg:$0x5] =	wrdreg $0x9  }
0xb8: {  	_ =	task.clear_ibuf [dreg:s8], $0x6FFFF;
	_ =	strace $0x90000046  }
0xb9: {  	s29 =	simm.s32 $0x9;
	_ =	strace $0x80000048  }
0xba: {  	_ =	swait.ge [sflag:s29], $0x1  }
0xbb: {  	[sflag:s29] =	ssyncadd.s32 $0xFFFFFFFF  }
0xbc: {  	_ =	strace $0x90000048  }
0xbd: {  	_ =	sfence  }
0xbe: {  	s30 =	sld [smem:$0x0];
	_ =	sdelay $0x2  }
0xbf: {  	s31 =	sshll.u32 s1, $0xD;
	s1 =	sshrl.u32 s1, $0x2  }
0xc0: {  	s3 =	sand.u32 $0x4000, s31;
	s1 =	sadd.s32 s1, s30  }
0xc1: {  	s0 =	sor.u32 s3, s0;
	s1 =	sshll.u32 s1, $0x11  }
0xc2: {  	s0 =	sor.u32 s1, s0  }
0xc3: {  	s0 =	sadd.s32 $0x8F2B, s0  }
0xc4: {  	[sflag:s0] =	ssyncadd.remote.s32 $0x1  }
0xc5: {  	_ =	sfence.sel $0xFFFF  }
0xc6: {  	[dreg:$0x0] =	wrdreg $0xFFFFFFFF;
	(pc) =	sbr.abs _section_cstart, $3  }
0xc7: {  	[dreg:$0x1] =	wrdreg $0xFFFFFFFF  }
0xc8: {  	_ =	task.clear_ibuf [dreg:s8], $0x2FFFF;
	_ =	strace $0x9FFFFFFF  }
0xc9: {  	(tm) =	ssettm $0x7FFFFFFF  }
tec
execute0_lowered:
.L_overlay_start_1:
0x0: {  	(tag) =	ssettag $0x1  }
0x1: {  	s5 =	rddreg [dreg:$0x0]  }
0x2: {  	s1 =	srdreg.scid;
	s3 =	rddreg [dreg:$0x1]  }
0x3: {  	s0 =	stileid.u32;
	s9 =	rddreg [dreg:$0x2];
	s6 =	sand.u32 $0x1, s1  }
0x4: {  	s2 =	simm.s32 $0x0;
	s4 =	sshll.u32 s0, $0x6;
	s7 =	sshll.u32 s6, $0x5  }
0x5: {  	s8 =	simm.s32 $0x1;
	[smem:$0x7FF] =	sst s2;
	s10 =	sor.u32 s7, s4  }
0x6: {  	s1 =	rddreg [dreg:$0x3];
	_ =	strace $0x80000047;
	s4 =	sshrl.u32 s10, $0x3  }
0x7: {  	s11 =	ssub.s32 $0x2, s6;
	s4 =	sadd.s32 s3, s4;
	s3 =	simm.s32 $0x2  }
0x8: {  	[tilespmem:s2], [sflag:$0x2] =	stream.linear.gather [hbm4b:s4+s2], $0x20, $0x38;
	[tilespmem:$0x1080] =	vst v63  }
0x9: {  	s5 =	sadd.s32 $0x251600, s5;
	s12 =	sshrl.u32 s11, $0x1;
	_ =	swait.ge [sflag:s3], $0x20  }
0xa: {  	s6 =	simm.s32 $0x20;
	s11 =	ssub.s32 s11, s12;
	[sflag:s3] =	ssyncset.done $0x0  }
0xb: {  	s7 =	simm.s32 $0x80;
	s31 =	smax.u32 s11, $0x1;
	[sflag:s3] =	ssyncadd.s32 $0xFFFFFFE0  }
0xc: {  	[tilespmem:s7], [sflag:$0x1] =	stream.indirect.gather [hbm4b:s5+s6], $0x80, s2, s6, $0xb8;
	[tilespmem:$0x1080] =	vst v63  }
0xd: {  	p0 =	sne.s32 s31, $0x1;
	_ =	swait.ge [sflag:s8], $0x1000  }
.Ltmp0:
0xe: {  	s10 =	sshll.u32 s10, $0x4;
	[sflag:s8] =	ssyncset.done $0x0;
	(pc) =	sbr.rel @!p0 .LBB2_2-.Ltmp0, $4  }
0xf: {  	s9 =	sadd.s32 s9, s10;
	[sflag:s8] =	ssyncadd.s32 $0xFFFFF000  }
0x10: {  	[hbm4b:s9+s2] =	stream.linear.scatter [tilespmem:s7], [sflag:$0x2], $0x1000, $0x38;
	[tilespmem:$0x1080] =	vst v63  }
0x11: {  	_ =	swait.ge [sflag:s3], $0x1000  }
0x12: {  	s10 =	sadd.s32 $0xFFFFFFFF, s31;
	[sflag:s3] =	ssyncset.done $0x0  }
.LBB2_1:
0x13: {  	p0 =	sne.s32 s10, $0x1;
	s10 =	sadd.s32 $0xFFFFFFFF, s10;
	[sflag:s3] =	ssyncadd.s32 $0xFFFFF000  }
0x14: {  	[tilespmem:s2], [sflag:$0x2] =	stream.linear.gather [hbm4b:s4+s2], $0x20, $0x38;
	[tilespmem:$0x1080] =	vst v63  }
0x15: {  	_ =	swait.ge [sflag:s3], $0x20  }
0x16: {  	[sflag:s3] =	ssyncset.done $0x0  }
0x17: {  	[sflag:s3] =	ssyncadd.s32 $0xFFFFFFE0  }
0x18: {  	[tilespmem:s7], [sflag:$0x1] =	stream.indirect.gather [hbm4b:s5+s6], $0x80, s2, s6, $0xb8;
	[tilespmem:$0x1080] =	vst v63  }
0x19: {  	_ =	swait.ge [sflag:s8], $0x1000  }
.Ltmp1:
0x1a: {  	[sflag:s8] =	ssyncset.done $0x0;
	(pc) =	sbr.rel @p0 .LBB2_1-.Ltmp1, $4  }
0x1b: {  	[sflag:s8] =	ssyncadd.s32 $0xFFFFF000  }
0x1c: {  	[hbm4b:s9+s2] =	stream.linear.scatter [tilespmem:s7], [sflag:$0x2], $0x1000, $0x38;
	[tilespmem:$0x1080] =	vst v63  }
0x1d: {  	_ =	swait.ge [sflag:s3], $0x1000  }
0x1e: {  	[sflag:s3] =	ssyncset.done $0x0  }
.LBB2_2:
0x1f: {  	[sflag:s3] =	ssyncadd.s32 $0xFFFFF000  }
0x20: {  	_ =	sfence.sel $0x180000  }
0x21: {  	[bflag:$0x0] =	sbarrier.arrive $0xFFFF  }
0x22: {  	p0 =	sne.s32 s0, $0x0;
	_ =	strace $0x90000047  }
0x23: {  	s0 =	sadd.s32 @!p0 $0x100000, s1;
	[bflag:$0x2] =	sbarrier.arrive $0xFFFF  }
0x24: {  	[sflag:s0] =	ssyncadd.tile.s32 @!p0 $0x1;
	_ =	shalt  }
.Lfunc_end2:
_tile_overlayer_lowered:
.L_overlay_start_2:
0x25: {  	(tag) =	ssettag $0x2  }
0x26: {  	s0 =	rddreg [dreg:$0x0];
	s2 =	stileid.u32  }
0x27: {  	s1 =	rddreg [dreg:$0x1];
	p0 =	sne.s32 s2, $0x0  }
0x28: {  	s3 =	rddreg [dreg:$0x2];
	[bflag:$0x3] =	sbarrier.arrive $0xFFFF;
	s2 =	simm.s32 @!p0 $0x1C02  }
0x29: {  	[timem:s3], [sflag:s2] =	dma.local @!p0 [hbm:s0], s1  }
0x2a: {  	s0 =	simm.s32 @!p0 $0x2  }
0x2b: {  	_ =	swait.ge @!p0 [sflag:s0], s1  }
0x2c: {  	s1 =	ssub.s32 @!p0 $0x0, s1;
	[sflag:s0] =	ssyncset.done @!p0 $0x0  }
0x2d: {  	[sflag:s0] =	ssyncadd.s32 @!p0 s1  }
0x2e: {  	[bflag:$0x3] =	sbarrier.arrive $0xFFFF  }
0x2f: {  	_ =	shalt  }

</sc_bundles>
